<compile_context>
chip_gen: v7x
topology: tpu7x:2x2x1
jax: 0.10.2.dev20260603
libtpu: 0.0.44.dev20260713+nightly
codegen_flags: <defaults>
</compile_context>

<pallas_src>
import functools

import jax
import jax.numpy as jnp
from jax import lax
from jax.experimental import pallas as pl
from jax.experimental.pallas import tpu as pltpu
from jax.experimental.pallas import tpu_sc as plsc

N = 10000
E = 320000
D = 128
D_PI = 98

NC = 2
NS = 16
NW = NC * NS

C = 125
ECHUNKS = E // C
G = ECHUNKS // NW
WB = N // 10

_MESH = plsc.VectorSubcoreMesh(
    core_axis_name="c", subcore_axis_name="s", num_cores=NC, num_subcores=NS
)


EPT = E // NW
IV = EPT // 16


@functools.partial(
    pl.kernel,
    mesh=_MESH,
    compiler_params=pltpu.CompilerParams(needs_layout_passes=False),
    out_type=jax.ShapeDtypeStruct((NW, 1, N), jnp.float32),
    scratch_types=[
        pltpu.VMEM((IV, 16), jnp.int32),
        pltpu.VMEM((N,), jnp.float32),
    ],
)
def _sc_degree(col_hbm, out_hbm, col_v, hist_v):
    c = lax.axis_index("c")
    s = lax.axis_index("s")
    w = c * NS + s
    pltpu.sync_copy(col_hbm.at[w], col_v)

    zeros = jnp.zeros((16,), jnp.float32)

    def zbody(i, carry):
        hist_v[pl.ds(i * 16, 16)] = zeros
        return carry

    lax.fori_loop(0, N // 16, zbody, 0)

    ones = jnp.full((16,), 1.0, jnp.float32)

    def body(i, carry):
        plsc.addupdate_scatter(hist_v, [col_v[i]], ones)
        return carry

    lax.fori_loop(0, IV, body, 0)
    pltpu.sync_copy(hist_v, out_hbm.at[w].at[0])


@functools.partial(
    pl.kernel,
    mesh=_MESH,
    out_type=jax.ShapeDtypeStruct((NC, N, D), jnp.float32),
    scratch_types=[
        pltpu.VMEM((G // 2, C), jnp.int32),
        pltpu.VMEM((G // 2, C), jnp.int32),
        pltpu.VMEM((C, D), jnp.float32),
        pltpu.VMEM((C, D), jnp.float32),
        pltpu.VMEM_SHARED((N, D), jnp.float32),
        pltpu.SemaphoreType.DMA,
        pltpu.SemaphoreType.DMA,
    ],
)
def _sc_scatter(ys_hbm, row_hbm, col_hbm, znd_hbm, out_hbm,
                row_v, col_v, rows_v0, rows_v1, acc, sem0, sem1):
    c = lax.axis_index("c")
    s = lax.axis_index("s")
    w = c * NS + s

    @pl.when(s < 10)
    def _zero():
        pltpu.sync_copy(znd_hbm.at[pl.ds(s * WB, WB)], acc.at[pl.ds(s * WB, WB)])

    plsc.subcore_barrier()

    H = G // 2
    for h in range(2):
        pltpu.sync_copy(row_hbm.at[pl.ds(w * G + h * H, H)], row_v)
        pltpu.sync_copy(col_hbm.at[pl.ds(w * G + h * H, H)], col_v)
        pltpu.async_copy(ys_hbm.at[row_v.at[0]], rows_v0, sem0)

        def body(i, carry):
            g = 2 * i
            pltpu.async_copy(ys_hbm.at[row_v.at[g + 1]], rows_v1, sem1)
            pltpu.make_async_copy(ys_hbm.at[row_v.at[g]], rows_v0, sem0).wait()
            pltpu.sync_copy(rows_v0, acc.at[col_v.at[g]], add=True)

            @pl.when(g + 2 < H)
            def _pf():
                pltpu.async_copy(ys_hbm.at[row_v.at[g + 2]], rows_v0, sem0)

            pltpu.make_async_copy(ys_hbm.at[row_v.at[g + 1]], rows_v1, sem1).wait()
            pltpu.sync_copy(rows_v1, acc.at[col_v.at[g + 1]], add=True)
            return carry

        lax.fori_loop(0, H // 2, body, 0)
    plsc.subcore_barrier()

    @pl.when(s < 10)
    def _wb():
        pltpu.sync_copy(acc.at[pl.ds(s * WB, WB)], out_hbm.at[c].at[pl.ds(s * WB, WB)])


_R = 2000


def _mm1_body(x_ref, d_ref, wa_ref, wb_ref, wc_ref, dp_ref, o_ref, dis_ref):
    deg = 1.0 + jnp.sum(dp_ref[...], axis=1, keepdims=True)
    dis = lax.rsqrt(deg)
    dis_ref[...] = dis
    t = jnp.dot(x_ref[...], wa_ref[...], preferred_element_type=jnp.float32)
    t += jnp.dot(d_ref[...], wb_ref[...], preferred_element_type=jnp.float32)
    y = jnp.dot(t, wc_ref[...], preferred_element_type=jnp.float32)
    o_ref[...] = dis * y


def _tc_layer1(x, d2an, wa, wb, wc1, degp_t):
    return pl.pallas_call(
        _mm1_body,
        grid=(N // _R,),
        in_specs=[
            pl.BlockSpec((_R, D), lambda i: (i, 0)),
            pl.BlockSpec((_R, D_PI), lambda i: (i, 0)),
            pl.BlockSpec((D, D), lambda i: (0, 0)),
            pl.BlockSpec((D_PI, D), lambda i: (0, 0)),
            pl.BlockSpec((D, D), lambda i: (0, 0)),
            pl.BlockSpec((_R, NW), lambda i: (i, 0)),
        ],
        out_specs=[
            pl.BlockSpec((_R, D), lambda i: (i, 0)),
            pl.BlockSpec((_R, 1), lambda i: (i, 0)),
        ],
        out_shape=[
            jax.ShapeDtypeStruct((N, D), jnp.float32),
            jax.ShapeDtypeStruct((N, 1), jnp.float32),
        ],
    )(x, d2an, wa, wb, wc1, degp_t)


def _mid_body(ap_ref, ys_ref, dis_ref, wc_ref, o_ref):
    dis = dis_ref[...]
    h = jnp.maximum(dis * (ap_ref[0] + ap_ref[1] + ys_ref[...]), 0.0)
    o_ref[...] = dis * jnp.dot(h, wc_ref[...], preferred_element_type=jnp.float32)


def _tc_mid(accp, ys1, dis, wc3):
    return pl.pallas_call(
        _mid_body,
        grid=(N // _R,),
        in_specs=[
            pl.BlockSpec((NC, _R, D), lambda i: (0, i, 0)),
            pl.BlockSpec((_R, D), lambda i: (i, 0)),
            pl.BlockSpec((_R, 1), lambda i: (i, 0)),
            pl.BlockSpec((D, D), lambda i: (0, 0)),
        ],
        out_specs=pl.BlockSpec((_R, D), lambda i: (i, 0)),
        out_shape=jax.ShapeDtypeStruct((N, D), jnp.float32),
    )(accp, ys1, dis, wc3)


def _final_body(ap_ref, ys_ref, dis_ref, o_ref):
    o_ref[...] = jnp.maximum(
        dis_ref[...] * (ap_ref[0] + ap_ref[1] + ys_ref[...]), 0.0
    )


def _tc_final(accp, ys2, dis):
    return pl.pallas_call(
        _final_body,
        grid=(N // _R,),
        in_specs=[
            pl.BlockSpec((NC, _R, D), lambda i: (0, i, 0)),
            pl.BlockSpec((_R, D), lambda i: (i, 0)),
            pl.BlockSpec((_R, 1), lambda i: (i, 0)),
        ],
        out_specs=pl.BlockSpec((_R, D), lambda i: (i, 0)),
        out_shape=jax.ShapeDtypeStruct((N, D), jnp.float32),
    )(accp, ys2, dis)


def kernel(x, edge_index, edge_attr, d2an, Wnode1, W1_conv1, W1_conv3):
    del edge_attr
    ei = edge_index.astype(jnp.int32)
    row2d = ei[0].reshape(ECHUNKS, C)
    col2d = ei[1].reshape(ECHUNKS, C)

    wa = Wnode1[:D]
    wb = Wnode1[D:]

    znd = jnp.zeros((N, D), jnp.float32)

    col3d = ei[1].reshape(NW, IV, 16)
    degp = _sc_degree(col3d)
    ys1, dis = _tc_layer1(x, d2an, wa, wb, W1_conv1, degp.reshape(NW, N).T)
    accp1 = _sc_scatter(ys1, row2d, col2d, znd)
    ys2 = _tc_mid(accp1, ys1, dis, W1_conv3)
    accp2 = _sc_scatter(ys2, row2d, col2d, znd)
    return _tc_final(accp2, ys2, dis)

# --- scband reference (transcript-rebuilt; emitter-appended) ---
"""Pipeline reference for scband-graph-pretrain-stencoder-60601988546612 (READ-ONLY COPY).

The authoritative reference and input builder live on the scoring server;
editing this copy changes nothing except your own understanding.
"""

import jax, jax.numpy as jnp
import numpy as np

N = 10000
E = 320000
D_FEAT = 128
D_EMB = 128
D_PI = 98  # beijing dataset: nodeLin in_channels + 98


def setup_inputs(seed: int = 0) -> dict:
    key = jax.random.key(seed)
    ks = jax.random.split(key, 8)
    x = jax.random.normal(ks[0], (N, D_FEAT), dtype=jnp.float32)
    edge_index = jax.random.randint(ks[1], (2, E), 0, N, dtype=jnp.int64)
    edge_attr = jax.random.uniform(ks[2], (E,), dtype=jnp.float32)
    d2an = jax.random.normal(ks[3], (N, D_PI), dtype=jnp.float32)
    # learned params (Linear(in,out,bias=False) stored as [in,out] for x @ W)
    s1 = 1.0 / np.sqrt(D_FEAT + D_PI)
    Wnode1 = jax.random.uniform(ks[4], (D_FEAT + D_PI, D_FEAT), dtype=jnp.float32, minval=-s1, maxval=s1)
    s2 = 1.0 / np.sqrt(D_FEAT)
    W1_conv1 = jax.random.uniform(ks[5], (D_FEAT, D_EMB), dtype=jnp.float32, minval=-s2, maxval=s2)
    s3 = 1.0 / np.sqrt(D_EMB)
    W1_conv3 = jax.random.uniform(ks[6], (D_EMB, D_EMB), dtype=jnp.float32, minval=-s3, maxval=s3)
    return {"x": x, "edge_index": edge_index, "edge_attr": edge_attr, "d2an": d2an,
            "Wnode1": Wnode1, "W1_conv1": W1_conv1, "W1_conv3": W1_conv3}


def _gcn_forward(x, edge_index, edge_attr, d2an, W1, Wnode, first_layer, use_pi):
    n = x.shape[0]
    # add_self_loops with fill_value=1.0
    loop = jnp.arange(n, dtype=edge_index.dtype)
    row = jnp.concatenate([edge_index[0], loop])
    col = jnp.concatenate([edge_index[1], loop])
    ea = jnp.concatenate([edge_attr, jnp.ones((n,), dtype=edge_attr.dtype)])
    if first_layer and use_pi:
        x = jnp.concatenate([x, d2an], axis=1) @ Wnode
    # degree of col (dst)
    deg = jnp.zeros((n,), dtype=x.dtype).at[col].add(1.0)
    deg_inv_sqrt = jnp.where(deg > 0, deg ** (-0.5), 0.0)
    deg_norm = deg_inv_sqrt[row] * deg_inv_sqrt[col]
    # edge_norm computed in the original gcn_forward but unused (dead code) - keep faithful
    edge_inv_sqrt = jnp.where(ea > 0, ea ** (-0.5), 0.0)
    edge_inv_sqrt = jnp.minimum(edge_inv_sqrt, 1.0)
    _ = edge_inv_sqrt
    # message: norm * lin1(x_j); aggregate='add' at dst (col)
    msg = deg_norm[:, None] * (x[row] @ W1)
    out = jnp.zeros((n, W1.shape[1]), dtype=x.dtype).at[col].add(msg)
    return out


def reference(x, edge_index, edge_attr, d2an, Wnode1, W1_conv1, W1_conv3):
    # GraphEncoder with useSI=False -> KnnGNN.noSI_forward (eval mode: dropout is identity)
    x0 = jax.nn.relu(_gcn_forward(x, edge_index, edge_attr, d2an, W1_conv1, Wnode1, True, True))
    h = x0
    x0 = jax.nn.relu(_gcn_forward(h, edge_index, edge_attr, d2an, W1_conv3, Wnode1, False, True))
    return x0

if __name__ == "__main__":
    import jax
    _d = setup_inputs()
    print(jax.jit(kernel)(*tuple(_d.values())))

</pallas_src>

<mosaic_0001>
#map = affine_map<(d0, d1) -> (0, 0, 0)>
module attributes {stable_mosaic.version = 14 : i64} {
  func.func @_sc_degree(%arg0: i32, %arg1: i32, %arg2: memref<32x625x16xi32, #tpu.memory_space<hbm>>, %arg3: memref<32x1x10000xf32, #tpu.memory_space<hbm>>, %arg4: memref<625x16xi32, #tpu.memory_space<vmem>>, %arg5: memref<10000xf32, #tpu.memory_space<vmem>>) attributes {dimension_semantics = [#tpu.dimension_semantics<core_parallel>, #tpu.dimension_semantics<subcore_parallel>], iteration_bounds = array<i64: 2, 16>, scalar_prefetch = 0 : i64, scratch_operands = 2 : i64, tpu.core_type = #tpu.core_type<sc_vector_subcore>, window_params = [{transform_indices = #map}, {transform_indices = #map}]} {
    %mul3A = arith.constant 16 : i32
    %mul3A_0 = arith.muli %arg0, %mul3A : i32
    %add3A = arith.addi %mul3A_0, %arg1 : i32
    "tpu.region"() ({
      %run_scoped3A_15 = tpu.sem_alloc : memref<!tpu.dma_semaphore, #tpu.memory_space<semaphore_mem>>
      %dma_start3A = arith.constant 0 : i32
      %dma_start3A_16 = arith.constant 0 : i32
      %dma_start3A_17 = tpu.memref_slice %arg2[%add3A, %dma_start3A, %dma_start3A_16] : memref<32x625x16xi32, #tpu.memory_space<hbm>> -> memref<1x625x16xi32, #tpu.memory_space<hbm>>
      %dma_start3A_18 = tpu.memref_squeeze %dma_start3A_17 : memref<1x625x16xi32, #tpu.memory_space<hbm>> -> memref<625x16xi32, #tpu.memory_space<hbm>>
      %dma_start3A_19 = arith.constant 0 : i32
      %dma_start3A_20 = arith.constant 0 : i32
      %dma_start3A_21 = tpu.memref_slice %arg2[%add3A, %dma_start3A_19, %dma_start3A_20] : memref<32x625x16xi32, #tpu.memory_space<hbm>> -> memref<1x625x16xi32, #tpu.memory_space<hbm>>
      %dma_start3A_22 = tpu.memref_squeeze %dma_start3A_21 : memref<1x625x16xi32, #tpu.memory_space<hbm>> -> memref<625x16xi32, #tpu.memory_space<hbm>>
      tpu.enqueue_dma source(%dma_start3A_22 : memref<625x16xi32, #tpu.memory_space<hbm>>) target(%arg4 : memref<625x16xi32, #tpu.memory_space<vmem>>) target_semaphore(%run_scoped3A_15 : memref<!tpu.dma_semaphore, #tpu.memory_space<semaphore_mem>>)
      %dma_wait3A = arith.constant 0 : i32
      %dma_wait3A_23 = arith.constant 0 : i32
      %dma_wait3A_24 = tpu.memref_slice %arg2[%add3A, %dma_wait3A, %dma_wait3A_23] : memref<32x625x16xi32, #tpu.memory_space<hbm>> -> memref<1x625x16xi32, #tpu.memory_space<hbm>>
      %dma_wait3A_25 = tpu.memref_squeeze %dma_wait3A_24 : memref<1x625x16xi32, #tpu.memory_space<hbm>> -> memref<625x16xi32, #tpu.memory_space<hbm>>
      %dma_wait3A_26 = arith.constant 0 : i32
      %dma_wait3A_27 = arith.constant 0 : i32
      %dma_wait3A_28 = tpu.memref_slice %arg2[%add3A, %dma_wait3A_26, %dma_wait3A_27] : memref<32x625x16xi32, #tpu.memory_space<hbm>> -> memref<1x625x16xi32, #tpu.memory_space<hbm>>
      %dma_wait3A_29 = tpu.memref_squeeze %dma_wait3A_28 : memref<1x625x16xi32, #tpu.memory_space<hbm>> -> memref<625x16xi32, #tpu.memory_space<hbm>>
      tpu.wait_dma2 semaphore(%run_scoped3A_15 : memref<!tpu.dma_semaphore, #tpu.memory_space<semaphore_mem>>) src(%dma_wait3A_29 : memref<625x16xi32, #tpu.memory_space<hbm>>) dst(%arg4 : memref<625x16xi32, #tpu.memory_space<vmem>>)
      tpu.yield
    }) : () -> ()
    %broadcast_in_dim3A = arith.constant 0.000000e+00 : f32
    %broadcast_in_dim3A_1 = vector.broadcast %broadcast_in_dim3A : f32 to vector<16xf32>
    %scan3A = arith.constant 0 : i32
    %scan3A_2 = arith.constant 0 : i32
    %scan3A_3 = arith.constant 625 : i32
    %scan3A_4 = arith.addi %scan3A_2, %scan3A_3 : i32
    %scan3A_5 = arith.constant 1 : i32
    scf.for %scan3A_15 = %scan3A_2 to %scan3A_4 step %scan3A_5  : i32 {
      %mul3A_16 = arith.constant 16 : i32
      %mul3A_17 = arith.muli %scan3A_15, %mul3A_16 : i32
      %swap3A = arith.index_cast %mul3A_17 : i32 to index
      %swap3A_18 = tpu.vector_load %arg5[%swap3A] {strides = array<i32>} : memref<10000xf32, #tpu.memory_space<vmem>>, vector<16xf32>,
      tpu.vector_store %arg5[%swap3A], %broadcast_in_dim3A_1 {strides = array<i32>} : memref<10000xf32, #tpu.memory_space<vmem>>, vector<16xf32>,
    }
    %scan3A_6 = arith.constant 625 : i32
    %broadcast_in_dim3A_7 = arith.constant 1.000000e+00 : f32
    %broadcast_in_dim3A_8 = vector.broadcast %broadcast_in_dim3A_7 : f32 to vector<16xf32>
    %scan3A_9 = arith.constant 0 : i32
    %scan3A_10 = arith.constant 0 : i32
    %scan3A_11 = arith.constant 625 : i32
    %scan3A_12 = arith.addi %scan3A_10, %scan3A_11 : i32
    %scan3A_13 = arith.constant 1 : i32
    scf.for %scan3A_15 = %scan3A_10 to %scan3A_12 step %scan3A_13  : i32 {
      %get3A = arith.index_cast %scan3A_15 : i32 to index
      %get3A_16 = arith.constant 0 : index
      %get3A_17 = tpu.vector_load %arg4[%get3A, %get3A_16] {strides = array<i32>} : memref<625x16xi32, #tpu.memory_space<vmem>>, vector<16xi32>,
      tpu.vector_store_idx %arg5[%get3A_17], %broadcast_in_dim3A_8 {add = true} : memref<10000xf32, #tpu.memory_space<vmem>>[vector<16xi32>], vector<16xf32>,
    }
    %scan3A_14 = arith.constant 625 : i32
    %run_scoped3A = arith.constant 0 : i32
    "tpu.region"() ({
      %run_scoped3A_15 = tpu.sem_alloc : memref<!tpu.dma_semaphore, #tpu.memory_space<semaphore_mem>>
      %dma_start3A = arith.constant 0 : i32
      %dma_start3A_16 = arith.constant 0 : i32
      %dma_start3A_17 = tpu.memref_slice %arg3[%add3A, %dma_start3A, %dma_start3A_16] : memref<32x1x10000xf32, #tpu.memory_space<hbm>> -> memref<1x1x10000xf32, #tpu.memory_space<hbm>>
      %dma_start3A_18 = tpu.memref_squeeze %dma_start3A_17 : memref<1x1x10000xf32, #tpu.memory_space<hbm>> -> memref<1x10000xf32, #tpu.memory_space<hbm>>
      %dma_start3A_19 = arith.constant 0 : i32
      %dma_start3A_20 = tpu.memref_slice %dma_start3A_18[%run_scoped3A, %dma_start3A_19] : memref<1x10000xf32, #tpu.memory_space<hbm>> -> memref<1x10000xf32, #tpu.memory_space<hbm>>
      %dma_start3A_21 = tpu.memref_squeeze %dma_start3A_20 : memref<1x10000xf32, #tpu.memory_space<hbm>> -> memref<10000xf32, #tpu.memory_space<hbm>>
      %dma_start3A_22 = arith.constant 0 : i32
      %dma_start3A_23 = arith.constant 0 : i32
      %dma_start3A_24 = tpu.memref_slice %arg3[%add3A, %dma_start3A_22, %dma_start3A_23] : memref<32x1x10000xf32, #tpu.memory_space<hbm>> -> memref<1x1x10000xf32, #tpu.memory_space<hbm>>
      %dma_start3A_25 = tpu.memref_squeeze %dma_start3A_24 : memref<1x1x10000xf32, #tpu.memory_space<hbm>> -> memref<1x10000xf32, #tpu.memory_space<hbm>>
      %dma_start3A_26 = arith.constant 0 : i32
      %dma_start3A_27 = tpu.memref_slice %dma_start3A_25[%run_scoped3A, %dma_start3A_26] : memref<1x10000xf32, #tpu.memory_space<hbm>> -> memref<1x10000xf32, #tpu.memory_space<hbm>>
      %dma_start3A_28 = tpu.memref_squeeze %dma_start3A_27 : memref<1x10000xf32, #tpu.memory_space<hbm>> -> memref<10000xf32, #tpu.memory_space<hbm>>
      tpu.enqueue_dma source(%arg5 : memref<10000xf32, #tpu.memory_space<vmem>>) target(%dma_start3A_28 : memref<10000xf32, #tpu.memory_space<hbm>>) target_semaphore(%run_scoped3A_15 : memref<!tpu.dma_semaphore, #tpu.memory_space<semaphore_mem>>)
      %dma_wait3A = arith.constant 0 : i32
      %dma_wait3A_29 = arith.constant 0 : i32
      %dma_wait3A_30 = tpu.memref_slice %arg3[%add3A, %dma_wait3A, %dma_wait3A_29] : memref<32x1x10000xf32, #tpu.memory_space<hbm>> -> memref<1x1x10000xf32, #tpu.memory_space<hbm>>
      %dma_wait3A_31 = tpu.memref_squeeze %dma_wait3A_30 : memref<1x1x10000xf32, #tpu.memory_space<hbm>> -> memref<1x10000xf32, #tpu.memory_space<hbm>>
      %dma_wait3A_32 = arith.constant 0 : i32
      %dma_wait3A_33 = tpu.memref_slice %dma_wait3A_31[%run_scoped3A, %dma_wait3A_32] : memref<1x10000xf32, #tpu.memory_space<hbm>> -> memref<1x10000xf32, #tpu.memory_space<hbm>>
      %dma_wait3A_34 = tpu.memref_squeeze %dma_wait3A_33 : memref<1x10000xf32, #tpu.memory_space<hbm>> -> memref<10000xf32, #tpu.memory_space<hbm>>
      %dma_wait3A_35 = arith.constant 0 : i32
      %dma_wait3A_36 = arith.constant 0 : i32
      %dma_wait3A_37 = tpu.memref_slice %arg3[%add3A, %dma_wait3A_35, %dma_wait3A_36] : memref<32x1x10000xf32, #tpu.memory_space<hbm>> -> memref<1x1x10000xf32, #tpu.memory_space<hbm>>
      %dma_wait3A_38 = tpu.memref_squeeze %dma_wait3A_37 : memref<1x1x10000xf32, #tpu.memory_space<hbm>> -> memref<1x10000xf32, #tpu.memory_space<hbm>>
      %dma_wait3A_39 = arith.constant 0 : i32
      %dma_wait3A_40 = tpu.memref_slice %dma_wait3A_38[%run_scoped3A, %dma_wait3A_39] : memref<1x10000xf32, #tpu.memory_space<hbm>> -> memref<1x10000xf32, #tpu.memory_space<hbm>>
      %dma_wait3A_41 = tpu.memref_squeeze %dma_wait3A_40 : memref<1x10000xf32, #tpu.memory_space<hbm>> -> memref<10000xf32, #tpu.memory_space<hbm>>
      tpu.wait_dma2 semaphore(%run_scoped3A_15 : memref<!tpu.dma_semaphore, #tpu.memory_space<semaphore_mem>>) src(%arg5 : memref<10000xf32, #tpu.memory_space<vmem>>) dst(%dma_wait3A_41 : memref<10000xf32, #tpu.memory_space<hbm>>)
      tpu.yield
    }) : () -> ()
    return
  }
}

#map = affine_map<(d0, d1) -> (0, 0)>
#map1 = affine_map<(d0, d1) -> (0, 0, 0)>
module attributes {stable_mosaic.version = 14 : i64} {
  func.func @_sc_scatter(%arg0: i32, %arg1: i32, %arg2: memref<10000x128xf32, #tpu.memory_space<hbm>>, %arg3: memref<2560x125xi32, #tpu.memory_space<hbm>>, %arg4: memref<2560x125xi32, #tpu.memory_space<hbm>>, %arg5: memref<10000x128xf32, #tpu.memory_space<hbm>>, %arg6: memref<2x10000x128xf32, #tpu.memory_space<hbm>>, %arg7: memref<40x125xi32, #tpu.memory_space<vmem>>, %arg8: memref<40x125xi32, #tpu.memory_space<vmem>>, %arg9: memref<125x128xf32, #tpu.memory_space<vmem>>, %arg10: memref<125x128xf32, #tpu.memory_space<vmem>>, %arg11: memref<10000x128xf32, #tpu.memory_space<vmem_shared>>, %arg12: memref<!tpu.dma_semaphore, #tpu.memory_space<semaphore_mem>>, %arg13: memref<!tpu.dma_semaphore, #tpu.memory_space<semaphore_mem>>) attributes {dimension_semantics = [#tpu.dimension_semantics<core_parallel>, #tpu.dimension_semantics<subcore_parallel>], iteration_bounds = array<i64: 2, 16>, scalar_prefetch = 0 : i64, scratch_operands = 7 : i64, tpu.core_type = #tpu.core_type<sc_vector_subcore>, window_params = [{transform_indices = #map}, {transform_indices = #map}, {transform_indices = #map}, {transform_indices = #map}, {transform_indices = #map1}]} {
    %mul3A = arith.constant 16 : i32
    %mul3A_0 = arith.muli %arg0, %mul3A : i32
    %add3A = arith.addi %mul3A_0, %arg1 : i32
    %lt3A = arith.constant 10 : i32
    %lt3A_1 = arith.cmpi slt, %arg1, %lt3A : i32
    %convert_element_type3A = arith.extui %lt3A_1 : i1 to i32
    %cond3A = arith.constant 0 : i32
    %cond3A_2 = arith.cmpi ne, %convert_element_type3A, %cond3A : i32
    scf.if %cond3A_2 {
      %mul3A_49 = arith.constant 1000 : i32
      %mul3A_50 = arith.muli %arg1, %mul3A_49 : i32
      %mul3A_51 = arith.constant 1000 : i32
      %mul3A_52 = arith.muli %arg1, %mul3A_51 : i32
      "tpu.region"() ({
        %run_scoped3A = tpu.sem_alloc : memref<!tpu.dma_semaphore, #tpu.memory_space<semaphore_mem>>
        %dma_start3A_53 = arith.constant 0 : i32
        %dma_start3A_54 = tpu.memref_slice %arg11[%mul3A_52, %dma_start3A_53] : memref<10000x128xf32, #tpu.memory_space<vmem_shared>> -> memref<1000x128xf32, #tpu.memory_space<vmem_shared>>
        %dma_start3A_55 = arith.constant 0 : i32
        %dma_start3A_56 = tpu.memref_slice %arg5[%mul3A_50, %dma_start3A_55] : memref<10000x128xf32, #tpu.memory_space<hbm>> -> memref<1000x128xf32, #tpu.memory_space<hbm>>
        tpu.enqueue_dma source(%dma_start3A_56 : memref<1000x128xf32, #tpu.memory_space<hbm>>) target(%dma_start3A_54 : memref<1000x128xf32, #tpu.memory_space<vmem_shared>>) target_semaphore(%run_scoped3A : memref<!tpu.dma_semaphore, #tpu.memory_space<semaphore_mem>>)
        %dma_wait3A = arith.constant 0 : i32
        %dma_wait3A_57 = tpu.memref_slice %arg11[%mul3A_52, %dma_wait3A] : memref<10000x128xf32, #tpu.memory_space<vmem_shared>> -> memref<1000x128xf32, #tpu.memory_space<vmem_shared>>
        %dma_wait3A_58 = arith.constant 0 : i32
        %dma_wait3A_59 = tpu.memref_slice %arg5[%mul3A_50, %dma_wait3A_58] : memref<10000x128xf32, #tpu.memory_space<hbm>> -> memref<1000x128xf32, #tpu.memory_space<hbm>>
        tpu.wait_dma2 semaphore(%run_scoped3A : memref<!tpu.dma_semaphore, #tpu.memory_space<semaphore_mem>>) src(%dma_wait3A_59 : memref<1000x128xf32, #tpu.memory_space<hbm>>) dst(%dma_wait3A_57 : memref<1000x128xf32, #tpu.memory_space<vmem_shared>>)
        tpu.yield
      }) : () -> ()
    } else {
    }
    %barrier3A = arith.constant 0 : index
    tpu.barrier barrier_id(%barrier3A)
    %mul3A_3 = arith.constant 80 : i32
    %mul3A_4 = arith.muli %add3A, %mul3A_3 : i32
    %add3A_5 = arith.constant 0 : i32
    %add3A_6 = arith.addi %mul3A_4, %add3A_5 : i32
    "tpu.region"() ({
      %run_scoped3A = tpu.sem_alloc : memref<!tpu.dma_semaphore, #tpu.memory_space<semaphore_mem>>
      %dma_start3A_49 = arith.constant 0 : i32
      %dma_start3A_50 = tpu.memref_slice %arg3[%add3A_6, %dma_start3A_49] : memref<2560x125xi32, #tpu.memory_space<hbm>> -> memref<40x125xi32, #tpu.memory_space<hbm>>
      %dma_start3A_51 = arith.constant 0 : i32
      %dma_start3A_52 = tpu.memref_slice %arg3[%add3A_6, %dma_start3A_51] : memref<2560x125xi32, #tpu.memory_space<hbm>> -> memref<40x125xi32, #tpu.memory_space<hbm>>
      tpu.enqueue_dma source(%dma_start3A_52 : memref<40x125xi32, #tpu.memory_space<hbm>>) target(%arg7 : memref<40x125xi32, #tpu.memory_space<vmem>>) target_semaphore(%run_scoped3A : memref<!tpu.dma_semaphore, #tpu.memory_space<semaphore_mem>>)
      %dma_wait3A = arith.constant 0 : i32
      %dma_wait3A_53 = tpu.memref_slice %arg3[%add3A_6, %dma_wait3A] : memref<2560x125xi32, #tpu.memory_space<hbm>> -> memref<40x125xi32, #tpu.memory_space<hbm>>
      %dma_wait3A_54 = arith.constant 0 : i32
      %dma_wait3A_55 = tpu.memref_slice %arg3[%add3A_6, %dma_wait3A_54] : memref<2560x125xi32, #tpu.memory_space<hbm>> -> memref<40x125xi32, #tpu.memory_space<hbm>>
      tpu.wait_dma2 semaphore(%run_scoped3A : memref<!tpu.dma_semaphore, #tpu.memory_space<semaphore_mem>>) src(%dma_wait3A_55 : memref<40x125xi32, #tpu.memory_space<hbm>>) dst(%arg7 : memref<40x125xi32, #tpu.memory_space<vmem>>)
      tpu.yield
    }) : () -> ()
    %mul3A_7 = arith.constant 80 : i32
    %mul3A_8 = arith.muli %add3A, %mul3A_7 : i32
    %add3A_9 = arith.constant 0 : i32
    %add3A_10 = arith.addi %mul3A_8, %add3A_9 : i32
    "tpu.region"() ({
      %run_scoped3A = tpu.sem_alloc : memref<!tpu.dma_semaphore, #tpu.memory_space<semaphore_mem>>
      %dma_start3A_49 = arith.constant 0 : i32
      %dma_start3A_50 = tpu.memref_slice %arg4[%add3A_10, %dma_start3A_49] : memref<2560x125xi32, #tpu.memory_space<hbm>> -> memref<40x125xi32, #tpu.memory_space<hbm>>
      %dma_start3A_51 = arith.constant 0 : i32
      %dma_start3A_52 = tpu.memref_slice %arg4[%add3A_10, %dma_start3A_51] : memref<2560x125xi32, #tpu.memory_space<hbm>> -> memref<40x125xi32, #tpu.memory_space<hbm>>
      tpu.enqueue_dma source(%dma_start3A_52 : memref<40x125xi32, #tpu.memory_space<hbm>>) target(%arg8 : memref<40x125xi32, #tpu.memory_space<vmem>>) target_semaphore(%run_scoped3A : memref<!tpu.dma_semaphore, #tpu.memory_space<semaphore_mem>>)
      %dma_wait3A = arith.constant 0 : i32
      %dma_wait3A_53 = tpu.memref_slice %arg4[%add3A_10, %dma_wait3A] : memref<2560x125xi32, #tpu.memory_space<hbm>> -> memref<40x125xi32, #tpu.memory_space<hbm>>
      %dma_wait3A_54 = arith.constant 0 : i32
      %dma_wait3A_55 = tpu.memref_slice %arg4[%add3A_10, %dma_wait3A_54] : memref<2560x125xi32, #tpu.memory_space<hbm>> -> memref<40x125xi32, #tpu.memory_space<hbm>>
      tpu.wait_dma2 semaphore(%run_scoped3A : memref<!tpu.dma_semaphore, #tpu.memory_space<semaphore_mem>>) src(%dma_wait3A_55 : memref<40x125xi32, #tpu.memory_space<hbm>>) dst(%arg8 : memref<40x125xi32, #tpu.memory_space<vmem>>)
      tpu.yield
    }) : () -> ()
    %dma_start3A = arith.constant 0 : i32
    %dma_start3A_11 = arith.constant 0 : i32
    %dma_start3A_12 = tpu.memref_slice %arg7[%dma_start3A, %dma_start3A_11] : memref<40x125xi32, #tpu.memory_space<vmem>> -> memref<1x125xi32, #tpu.memory_space<vmem>>
    %dma_start3A_13 = tpu.memref_squeeze %dma_start3A_12 : memref<1x125xi32, #tpu.memory_space<vmem>> -> memref<125xi32, #tpu.memory_space<vmem>>
    %dma_start3A_14 = arith.constant 0 : i32
    %dma_start3A_15 = arith.constant 0 : i32
    %dma_start3A_16 = tpu.memref_slice %arg2[%dma_start3A_14, %dma_start3A_15] : memref<10000x128xf32, #tpu.memory_space<hbm>> -> memref<10000x128xf32, #tpu.memory_space<hbm>>
    tpu.enqueue_indirect_dma source(%dma_start3A_16 : memref<10000x128xf32, #tpu.memory_space<hbm>>) target(%arg9 : memref<125x128xf32, #tpu.memory_space<vmem>>) offsets(%dma_start3A_13 : memref<125xi32, #tpu.memory_space<vmem>>) semaphore(%arg12 : memref<!tpu.dma_semaphore, #tpu.memory_space<semaphore_mem>>)
    %scan3A = arith.constant 0 : i32
    %scan3A_17 = arith.constant 0 : i32
    %scan3A_18 = arith.constant 20 : i32
    %scan3A_19 = arith.addi %scan3A_17, %scan3A_18 : i32
    %scan3A_20 = arith.constant 1 : i32
    scf.for %scan3A_49 = %scan3A_17 to %scan3A_19 step %scan3A_20  : i32 {
      %mul3A_50 = arith.constant 2 : i32
      %mul3A_51 = arith.muli %mul3A_50, %scan3A_49 : i32
      %add3A_52 = arith.constant 1 : i32
      %add3A_53 = arith.addi %mul3A_51, %add3A_52 : i32
      %dma_start3A_54 = arith.constant 0 : i32
      %dma_start3A_55 = tpu.memref_slice %arg7[%add3A_53, %dma_start3A_54] : memref<40x125xi32, #tpu.memory_space<vmem>> -> memref<1x125xi32, #tpu.memory_space<vmem>>
      %dma_start3A_56 = tpu.memref_squeeze %dma_start3A_55 : memref<1x125xi32, #tpu.memory_space<vmem>> -> memref<125xi32, #tpu.memory_space<vmem>>
      %dma_start3A_57 = arith.constant 0 : i32
      %dma_start3A_58 = arith.constant 0 : i32
      %dma_start3A_59 = tpu.memref_slice %arg2[%dma_start3A_57, %dma_start3A_58] : memref<10000x128xf32, #tpu.memory_space<hbm>> -> memref<10000x128xf32, #tpu.memory_space<hbm>>
      tpu.enqueue_indirect_dma source(%dma_start3A_59 : memref<10000x128xf32, #tpu.memory_space<hbm>>) target(%arg10 : memref<125x128xf32, #tpu.memory_space<vmem>>) offsets(%dma_start3A_56 : memref<125xi32, #tpu.memory_space<vmem>>) semaphore(%arg13 : memref<!tpu.dma_semaphore, #tpu.memory_space<semaphore_mem>>)
      %dma_wait3A = arith.constant 0 : i32
      %dma_wait3A_60 = tpu.memref_slice %arg7[%mul3A_51, %dma_wait3A] : memref<40x125xi32, #tpu.memory_space<vmem>> -> memref<1x125xi32, #tpu.memory_space<vmem>>
      %dma_wait3A_61 = tpu.memref_squeeze %dma_wait3A_60 : memref<1x125xi32, #tpu.memory_space<vmem>> -> memref<125xi32, #tpu.memory_space<vmem>>
      %dma_wait3A_62 = arith.constant 0 : i32
      %dma_wait3A_63 = arith.constant 0 : i32
      %dma_wait3A_64 = tpu.memref_slice %arg2[%dma_wait3A_62, %dma_wait3A_63] : memref<10000x128xf32, #tpu.memory_space<hbm>> -> memref<10000x128xf32, #tpu.memory_space<hbm>>
      tpu.wait_indirect_dma semaphore(%arg12 : memref<!tpu.dma_semaphore, #tpu.memory_space<semaphore_mem>>) src(%dma_wait3A_64 : memref<10000x128xf32, #tpu.memory_space<hbm>>) dst(%arg9 : memref<125x128xf32, #tpu.memory_space<vmem>>)
      "tpu.region"() ({
        %run_scoped3A = tpu.sem_alloc : memref<!tpu.dma_semaphore, #tpu.memory_space<semaphore_mem>>
        %dma_start3A_82 = arith.constant 0 : i32
        %dma_start3A_83 = tpu.memref_slice %arg8[%mul3A_51, %dma_start3A_82] : memref<40x125xi32, #tpu.memory_space<vmem>> -> memref<1x125xi32, #tpu.memory_space<vmem>>
        %dma_start3A_84 = tpu.memref_squeeze %dma_start3A_83 : memref<1x125xi32, #tpu.memory_space<vmem>> -> memref<125xi32, #tpu.memory_space<vmem>>
        %dma_start3A_85 = arith.constant 0 : i32
        %dma_start3A_86 = arith.constant 0 : i32
        %dma_start3A_87 = tpu.memref_slice %arg11[%dma_start3A_85, %dma_start3A_86] : memref<10000x128xf32, #tpu.memory_space<vmem_shared>> -> memref<10000x128xf32, #tpu.memory_space<vmem_shared>>
        tpu.enqueue_indirect_dma source(%arg9 : memref<125x128xf32, #tpu.memory_space<vmem>>) target(%dma_start3A_87 : memref<10000x128xf32, #tpu.memory_space<vmem_shared>>) offsets(%dma_start3A_84 : memref<125xi32, #tpu.memory_space<vmem>>) semaphore(%run_scoped3A : memref<!tpu.dma_semaphore, #tpu.memory_space<semaphore_mem>>) {add = true}
        %dma_wait3A_88 = arith.constant 0 : i32
        %dma_wait3A_89 = tpu.memref_slice %arg8[%mul3A_51, %dma_wait3A_88] : memref<40x125xi32, #tpu.memory_space<vmem>> -> memref<1x125xi32, #tpu.memory_space<vmem>>
        %dma_wait3A_90 = tpu.memref_squeeze %dma_wait3A_89 : memref<1x125xi32, #tpu.memory_space<vmem>> -> memref<125xi32, #tpu.memory_space<vmem>>
        %dma_wait3A_91 = arith.constant 0 : i32
        %dma_wait3A_92 = arith.constant 0 : i32
        %dma_wait3A_93 = tpu.memref_slice %arg11[%dma_wait3A_91, %dma_wait3A_92] : memref<10000x128xf32, #tpu.memory_space<vmem_shared>> -> memref<10000x128xf32, #tpu.memory_space<vmem_shared>>
        tpu.wait_indirect_dma semaphore(%run_scoped3A : memref<!tpu.dma_semaphore, #tpu.memory_space<semaphore_mem>>) src(%arg9 : memref<125x128xf32, #tpu.memory_space<vmem>>) dst(%dma_wait3A_93 : memref<10000x128xf32, #tpu.memory_space<vmem_shared>>)
        tpu.yield
      }) : () -> ()
      %add3A_65 = arith.constant 2 : i32
      %add3A_66 = arith.addi %mul3A_51, %add3A_65 : i32
      %lt3A_67 = arith.constant 40 : i32
      %lt3A_68 = arith.cmpi slt, %add3A_66, %lt3A_67 : i32
      %convert_element_type3A_69 = arith.extui %lt3A_68 : i1 to i32
      %cond3A_70 = arith.constant 0 : i32
      %cond3A_71 = arith.cmpi ne, %convert_element_type3A_69, %cond3A_70 : i32
      scf.if %cond3A_71 {
        %add3A_82 = arith.constant 2 : i32
        %add3A_83 = arith.addi %mul3A_51, %add3A_82 : i32
        %dma_start3A_84 = arith.constant 0 : i32
        %dma_start3A_85 = tpu.memref_slice %arg7[%add3A_83, %dma_start3A_84] : memref<40x125xi32, #tpu.memory_space<vmem>> -> memref<1x125xi32, #tpu.memory_space<vmem>>
        %dma_start3A_86 = tpu.memref_squeeze %dma_start3A_85 : memref<1x125xi32, #tpu.memory_space<vmem>> -> memref<125xi32, #tpu.memory_space<vmem>>
        %dma_start3A_87 = arith.constant 0 : i32
        %dma_start3A_88 = arith.constant 0 : i32
        %dma_start3A_89 = tpu.memref_slice %arg2[%dma_start3A_87, %dma_start3A_88] : memref<10000x128xf32, #tpu.memory_space<hbm>> -> memref<10000x128xf32, #tpu.memory_space<hbm>>
        tpu.enqueue_indirect_dma source(%dma_start3A_89 : memref<10000x128xf32, #tpu.memory_space<hbm>>) target(%arg9 : memref<125x128xf32, #tpu.memory_space<vmem>>) offsets(%dma_start3A_86 : memref<125xi32, #tpu.memory_space<vmem>>) semaphore(%arg12 : memref<!tpu.dma_semaphore, #tpu.memory_space<semaphore_mem>>)
      } else {
      }
      %add3A_72 = arith.constant 1 : i32
      %add3A_73 = arith.addi %mul3A_51, %add3A_72 : i32
      %dma_wait3A_74 = arith.constant 0 : i32
      %dma_wait3A_75 = tpu.memref_slice %arg7[%add3A_73, %dma_wait3A_74] : memref<40x125xi32, #tpu.memory_space<vmem>> -> memref<1x125xi32, #tpu.memory_space<vmem>>
      %dma_wait3A_76 = tpu.memref_squeeze %dma_wait3A_75 : memref<1x125xi32, #tpu.memory_space<vmem>> -> memref<125xi32, #tpu.memory_space<vmem>>
      %dma_wait3A_77 = arith.constant 0 : i32
      %dma_wait3A_78 = arith.constant 0 : i32
      %dma_wait3A_79 = tpu.memref_slice %arg2[%dma_wait3A_77, %dma_wait3A_78] : memref<10000x128xf32, #tpu.memory_space<hbm>> -> memref<10000x128xf32, #tpu.memory_space<hbm>>
      tpu.wait_indirect_dma semaphore(%arg13 : memref<!tpu.dma_semaphore, #tpu.memory_space<semaphore_mem>>) src(%dma_wait3A_79 : memref<10000x128xf32, #tpu.memory_space<hbm>>) dst(%arg10 : memref<125x128xf32, #tpu.memory_space<vmem>>)
      %add3A_80 = arith.constant 1 : i32
      %add3A_81 = arith.addi %mul3A_51, %add3A_80 : i32
      "tpu.region"() ({
        %run_scoped3A = tpu.sem_alloc : memref<!tpu.dma_semaphore, #tpu.memory_space<semaphore_mem>>
        %dma_start3A_82 = arith.constant 0 : i32
        %dma_start3A_83 = tpu.memref_slice %arg8[%add3A_81, %dma_start3A_82] : memref<40x125xi32, #tpu.memory_space<vmem>> -> memref<1x125xi32, #tpu.memory_space<vmem>>
        %dma_start3A_84 = tpu.memref_squeeze %dma_start3A_83 : memref<1x125xi32, #tpu.memory_space<vmem>> -> memref<125xi32, #tpu.memory_space<vmem>>
        %dma_start3A_85 = arith.constant 0 : i32
        %dma_start3A_86 = arith.constant 0 : i32
        %dma_start3A_87 = tpu.memref_slice %arg11[%dma_start3A_85, %dma_start3A_86] : memref<10000x128xf32, #tpu.memory_space<vmem_shared>> -> memref<10000x128xf32, #tpu.memory_space<vmem_shared>>
        tpu.enqueue_indirect_dma source(%arg10 : memref<125x128xf32, #tpu.memory_space<vmem>>) target(%dma_start3A_87 : memref<10000x128xf32, #tpu.memory_space<vmem_shared>>) offsets(%dma_start3A_84 : memref<125xi32, #tpu.memory_space<vmem>>) semaphore(%run_scoped3A : memref<!tpu.dma_semaphore, #tpu.memory_space<semaphore_mem>>) {add = true}
        %dma_wait3A_88 = arith.constant 0 : i32
        %dma_wait3A_89 = tpu.memref_slice %arg8[%add3A_81, %dma_wait3A_88] : memref<40x125xi32, #tpu.memory_space<vmem>> -> memref<1x125xi32, #tpu.memory_space<vmem>>
        %dma_wait3A_90 = tpu.memref_squeeze %dma_wait3A_89 : memref<1x125xi32, #tpu.memory_space<vmem>> -> memref<125xi32, #tpu.memory_space<vmem>>
        %dma_wait3A_91 = arith.constant 0 : i32
        %dma_wait3A_92 = arith.constant 0 : i32
        %dma_wait3A_93 = tpu.memref_slice %arg11[%dma_wait3A_91, %dma_wait3A_92] : memref<10000x128xf32, #tpu.memory_space<vmem_shared>> -> memref<10000x128xf32, #tpu.memory_space<vmem_shared>>
        tpu.wait_indirect_dma semaphore(%run_scoped3A : memref<!tpu.dma_semaphore, #tpu.memory_space<semaphore_mem>>) src(%arg10 : memref<125x128xf32, #tpu.memory_space<vmem>>) dst(%dma_wait3A_93 : memref<10000x128xf32, #tpu.memory_space<vmem_shared>>)
        tpu.yield
      }) : () -> ()
    }
    %scan3A_21 = arith.constant 20 : i32
    %mul3A_22 = arith.constant 80 : i32
    %mul3A_23 = arith.muli %add3A, %mul3A_22 : i32
    %add3A_24 = arith.constant 40 : i32
    %add3A_25 = arith.addi %mul3A_23, %add3A_24 : i32
    "tpu.region"() ({
      %run_scoped3A = tpu.sem_alloc : memref<!tpu.dma_semaphore, #tpu.memory_space<semaphore_mem>>
      %dma_start3A_49 = arith.constant 0 : i32
      %dma_start3A_50 = tpu.memref_slice %arg3[%add3A_25, %dma_start3A_49] : memref<2560x125xi32, #tpu.memory_space<hbm>> -> memref<40x125xi32, #tpu.memory_space<hbm>>
      %dma_start3A_51 = arith.constant 0 : i32
      %dma_start3A_52 = tpu.memref_slice %arg3[%add3A_25, %dma_start3A_51] : memref<2560x125xi32, #tpu.memory_space<hbm>> -> memref<40x125xi32, #tpu.memory_space<hbm>>
      tpu.enqueue_dma source(%dma_start3A_52 : memref<40x125xi32, #tpu.memory_space<hbm>>) target(%arg7 : memref<40x125xi32, #tpu.memory_space<vmem>>) target_semaphore(%run_scoped3A : memref<!tpu.dma_semaphore, #tpu.memory_space<semaphore_mem>>)
      %dma_wait3A = arith.constant 0 : i32
      %dma_wait3A_53 = tpu.memref_slice %arg3[%add3A_25, %dma_wait3A] : memref<2560x125xi32, #tpu.memory_space<hbm>> -> memref<40x125xi32, #tpu.memory_space<hbm>>
      %dma_wait3A_54 = arith.constant 0 : i32
      %dma_wait3A_55 = tpu.memref_slice %arg3[%add3A_25, %dma_wait3A_54] : memref<2560x125xi32, #tpu.memory_space<hbm>> -> memref<40x125xi32, #tpu.memory_space<hbm>>
      tpu.wait_dma2 semaphore(%run_scoped3A : memref<!tpu.dma_semaphore, #tpu.memory_space<semaphore_mem>>) src(%dma_wait3A_55 : memref<40x125xi32, #tpu.memory_space<hbm>>) dst(%arg7 : memref<40x125xi32, #tpu.memory_space<vmem>>)
      tpu.yield
    }) : () -> ()
    %mul3A_26 = arith.constant 80 : i32
    %mul3A_27 = arith.muli %add3A, %mul3A_26 : i32
    %add3A_28 = arith.constant 40 : i32
    %add3A_29 = arith.addi %mul3A_27, %add3A_28 : i32
    "tpu.region"() ({
      %run_scoped3A = tpu.sem_alloc : memref<!tpu.dma_semaphore, #tpu.memory_space<semaphore_mem>>
      %dma_start3A_49 = arith.constant 0 : i32
      %dma_start3A_50 = tpu.memref_slice %arg4[%add3A_29, %dma_start3A_49] : memref<2560x125xi32, #tpu.memory_space<hbm>> -> memref<40x125xi32, #tpu.memory_space<hbm>>
      %dma_start3A_51 = arith.constant 0 : i32
      %dma_start3A_52 = tpu.memref_slice %arg4[%add3A_29, %dma_start3A_51] : memref<2560x125xi32, #tpu.memory_space<hbm>> -> memref<40x125xi32, #tpu.memory_space<hbm>>
      tpu.enqueue_dma source(%dma_start3A_52 : memref<40x125xi32, #tpu.memory_space<hbm>>) target(%arg8 : memref<40x125xi32, #tpu.memory_space<vmem>>) target_semaphore(%run_scoped3A : memref<!tpu.dma_semaphore, #tpu.memory_space<semaphore_mem>>)
      %dma_wait3A = arith.constant 0 : i32
      %dma_wait3A_53 = tpu.memref_slice %arg4[%add3A_29, %dma_wait3A] : memref<2560x125xi32, #tpu.memory_space<hbm>> -> memref<40x125xi32, #tpu.memory_space<hbm>>
      %dma_wait3A_54 = arith.constant 0 : i32
      %dma_wait3A_55 = tpu.memref_slice %arg4[%add3A_29, %dma_wait3A_54] : memref<2560x125xi32, #tpu.memory_space<hbm>> -> memref<40x125xi32, #tpu.memory_space<hbm>>
      tpu.wait_dma2 semaphore(%run_scoped3A : memref<!tpu.dma_semaphore, #tpu.memory_space<semaphore_mem>>) src(%dma_wait3A_55 : memref<40x125xi32, #tpu.memory_space<hbm>>) dst(%arg8 : memref<40x125xi32, #tpu.memory_space<vmem>>)
      tpu.yield
    }) : () -> ()
    %dma_start3A_30 = arith.constant 0 : i32
    %dma_start3A_31 = arith.constant 0 : i32
    %dma_start3A_32 = tpu.memref_slice %arg7[%dma_start3A_30, %dma_start3A_31] : memref<40x125xi32, #tpu.memory_space<vmem>> -> memref<1x125xi32, #tpu.memory_space<vmem>>
    %dma_start3A_33 = tpu.memref_squeeze %dma_start3A_32 : memref<1x125xi32, #tpu.memory_space<vmem>> -> memref<125xi32, #tpu.memory_space<vmem>>
    %dma_start3A_34 = arith.constant 0 : i32
    %dma_start3A_35 = arith.constant 0 : i32
    %dma_start3A_36 = tpu.memref_slice %arg2[%dma_start3A_34, %dma_start3A_35] : memref<10000x128xf32, #tpu.memory_space<hbm>> -> memref<10000x128xf32, #tpu.memory_space<hbm>>
    tpu.enqueue_indirect_dma source(%dma_start3A_36 : memref<10000x128xf32, #tpu.memory_space<hbm>>) target(%arg9 : memref<125x128xf32, #tpu.memory_space<vmem>>) offsets(%dma_start3A_33 : memref<125xi32, #tpu.memory_space<vmem>>) semaphore(%arg12 : memref<!tpu.dma_semaphore, #tpu.memory_space<semaphore_mem>>)
    %scan3A_37 = arith.constant 0 : i32
    %scan3A_38 = arith.constant 0 : i32
    %scan3A_39 = arith.constant 20 : i32
    %scan3A_40 = arith.addi %scan3A_38, %scan3A_39 : i32
    %scan3A_41 = arith.constant 1 : i32
    scf.for %scan3A_49 = %scan3A_38 to %scan3A_40 step %scan3A_41  : i32 {
      %mul3A_50 = arith.constant 2 : i32
      %mul3A_51 = arith.muli %mul3A_50, %scan3A_49 : i32
      %add3A_52 = arith.constant 1 : i32
      %add3A_53 = arith.addi %mul3A_51, %add3A_52 : i32
      %dma_start3A_54 = arith.constant 0 : i32
      %dma_start3A_55 = tpu.memref_slice %arg7[%add3A_53, %dma_start3A_54] : memref<40x125xi32, #tpu.memory_space<vmem>> -> memref<1x125xi32, #tpu.memory_space<vmem>>
      %dma_start3A_56 = tpu.memref_squeeze %dma_start3A_55 : memref<1x125xi32, #tpu.memory_space<vmem>> -> memref<125xi32, #tpu.memory_space<vmem>>
      %dma_start3A_57 = arith.constant 0 : i32
      %dma_start3A_58 = arith.constant 0 : i32
      %dma_start3A_59 = tpu.memref_slice %arg2[%dma_start3A_57, %dma_start3A_58] : memref<10000x128xf32, #tpu.memory_space<hbm>> -> memref<10000x128xf32, #tpu.memory_space<hbm>>
      tpu.enqueue_indirect_dma source(%dma_start3A_59 : memref<10000x128xf32, #tpu.memory_space<hbm>>) target(%arg10 : memref<125x128xf32, #tpu.memory_space<vmem>>) offsets(%dma_start3A_56 : memref<125xi32, #tpu.memory_space<vmem>>) semaphore(%arg13 : memref<!tpu.dma_semaphore, #tpu.memory_space<semaphore_mem>>)
      %dma_wait3A = arith.constant 0 : i32
      %dma_wait3A_60 = tpu.memref_slice %arg7[%mul3A_51, %dma_wait3A] : memref<40x125xi32, #tpu.memory_space<vmem>> -> memref<1x125xi32, #tpu.memory_space<vmem>>
      %dma_wait3A_61 = tpu.memref_squeeze %dma_wait3A_60 : memref<1x125xi32, #tpu.memory_space<vmem>> -> memref<125xi32, #tpu.memory_space<vmem>>
      %dma_wait3A_62 = arith.constant 0 : i32
      %dma_wait3A_63 = arith.constant 0 : i32
      %dma_wait3A_64 = tpu.memref_slice %arg2[%dma_wait3A_62, %dma_wait3A_63] : memref<10000x128xf32, #tpu.memory_space<hbm>> -> memref<10000x128xf32, #tpu.memory_space<hbm>>
      tpu.wait_indirect_dma semaphore(%arg12 : memref<!tpu.dma_semaphore, #tpu.memory_space<semaphore_mem>>) src(%dma_wait3A_64 : memref<10000x128xf32, #tpu.memory_space<hbm>>) dst(%arg9 : memref<125x128xf32, #tpu.memory_space<vmem>>)
      "tpu.region"() ({
        %run_scoped3A = tpu.sem_alloc : memref<!tpu.dma_semaphore, #tpu.memory_space<semaphore_mem>>
        %dma_start3A_82 = arith.constant 0 : i32
        %dma_start3A_83 = tpu.memref_slice %arg8[%mul3A_51, %dma_start3A_82] : memref<40x125xi32, #tpu.memory_space<vmem>> -> memref<1x125xi32, #tpu.memory_space<vmem>>
        %dma_start3A_84 = tpu.memref_squeeze %dma_start3A_83 : memref<1x125xi32, #tpu.memory_space<vmem>> -> memref<125xi32, #tpu.memory_space<vmem>>
        %dma_start3A_85 = arith.constant 0 : i32
        %dma_start3A_86 = arith.constant 0 : i32
        %dma_start3A_87 = tpu.memref_slice %arg11[%dma_start3A_85, %dma_start3A_86] : memref<10000x128xf32, #tpu.memory_space<vmem_shared>> -> memref<10000x128xf32, #tpu.memory_space<vmem_shared>>
        tpu.enqueue_indirect_dma source(%arg9 : memref<125x128xf32, #tpu.memory_space<vmem>>) target(%dma_start3A_87 : memref<10000x128xf32, #tpu.memory_space<vmem_shared>>) offsets(%dma_start3A_84 : memref<125xi32, #tpu.memory_space<vmem>>) semaphore(%run_scoped3A : memref<!tpu.dma_semaphore, #tpu.memory_space<semaphore_mem>>) {add = true}
        %dma_wait3A_88 = arith.constant 0 : i32
        %dma_wait3A_89 = tpu.memref_slice %arg8[%mul3A_51, %dma_wait3A_88] : memref<40x125xi32, #tpu.memory_space<vmem>> -> memref<1x125xi32, #tpu.memory_space<vmem>>
        %dma_wait3A_90 = tpu.memref_squeeze %dma_wait3A_89 : memref<1x125xi32, #tpu.memory_space<vmem>> -> memref<125xi32, #tpu.memory_space<vmem>>
        %dma_wait3A_91 = arith.constant 0 : i32
        %dma_wait3A_92 = arith.constant 0 : i32
        %dma_wait3A_93 = tpu.memref_slice %arg11[%dma_wait3A_91, %dma_wait3A_92] : memref<10000x128xf32, #tpu.memory_space<vmem_shared>> -> memref<10000x128xf32, #tpu.memory_space<vmem_shared>>
        tpu.wait_indirect_dma semaphore(%run_scoped3A : memref<!tpu.dma_semaphore, #tpu.memory_space<semaphore_mem>>) src(%arg9 : memref<125x128xf32, #tpu.memory_space<vmem>>) dst(%dma_wait3A_93 : memref<10000x128xf32, #tpu.memory_space<vmem_shared>>)
        tpu.yield
      }) : () -> ()
      %add3A_65 = arith.constant 2 : i32
      %add3A_66 = arith.addi %mul3A_51, %add3A_65 : i32
      %lt3A_67 = arith.constant 40 : i32
      %lt3A_68 = arith.cmpi slt, %add3A_66, %lt3A_67 : i32
      %convert_element_type3A_69 = arith.extui %lt3A_68 : i1 to i32
      %cond3A_70 = arith.constant 0 : i32
      %cond3A_71 = arith.cmpi ne, %convert_element_type3A_69, %cond3A_70 : i32
      scf.if %cond3A_71 {
        %add3A_82 = arith.constant 2 : i32
        %add3A_83 = arith.addi %mul3A_51, %add3A_82 : i32
        %dma_start3A_84 = arith.constant 0 : i32
        %dma_start3A_85 = tpu.memref_slice %arg7[%add3A_83, %dma_start3A_84] : memref<40x125xi32, #tpu.memory_space<vmem>> -> memref<1x125xi32, #tpu.memory_space<vmem>>
        %dma_start3A_86 = tpu.memref_squeeze %dma_start3A_85 : memref<1x125xi32, #tpu.memory_space<vmem>> -> memref<125xi32, #tpu.memory_space<vmem>>
        %dma_start3A_87 = arith.constant 0 : i32
        %dma_start3A_88 = arith.constant 0 : i32
        %dma_start3A_89 = tpu.memref_slice %arg2[%dma_start3A_87, %dma_start3A_88] : memref<10000x128xf32, #tpu.memory_space<hbm>> -> memref<10000x128xf32, #tpu.memory_space<hbm>>
        tpu.enqueue_indirect_dma source(%dma_start3A_89 : memref<10000x128xf32, #tpu.memory_space<hbm>>) target(%arg9 : memref<125x128xf32, #tpu.memory_space<vmem>>) offsets(%dma_start3A_86 : memref<125xi32, #tpu.memory_space<vmem>>) semaphore(%arg12 : memref<!tpu.dma_semaphore, #tpu.memory_space<semaphore_mem>>)
      } else {
      }
      %add3A_72 = arith.constant 1 : i32
      %add3A_73 = arith.addi %mul3A_51, %add3A_72 : i32
      %dma_wait3A_74 = arith.constant 0 : i32
      %dma_wait3A_75 = tpu.memref_slice %arg7[%add3A_73, %dma_wait3A_74] : memref<40x125xi32, #tpu.memory_space<vmem>> -> memref<1x125xi32, #tpu.memory_space<vmem>>
      %dma_wait3A_76 = tpu.memref_squeeze %dma_wait3A_75 : memref<1x125xi32, #tpu.memory_space<vmem>> -> memref<125xi32, #tpu.memory_space<vmem>>
      %dma_wait3A_77 = arith.constant 0 : i32
      %dma_wait3A_78 = arith.constant 0 : i32
      %dma_wait3A_79 = tpu.memref_slice %arg2[%dma_wait3A_77, %dma_wait3A_78] : memref<10000x128xf32, #tpu.memory_space<hbm>> -> memref<10000x128xf32, #tpu.memory_space<hbm>>
      tpu.wait_indirect_dma semaphore(%arg13 : memref<!tpu.dma_semaphore, #tpu.memory_space<semaphore_mem>>) src(%dma_wait3A_79 : memref<10000x128xf32, #tpu.memory_space<hbm>>) dst(%arg10 : memref<125x128xf32, #tpu.memory_space<vmem>>)
      %add3A_80 = arith.constant 1 : i32
      %add3A_81 = arith.addi %mul3A_51, %add3A_80 : i32
      "tpu.region"() ({
        %run_scoped3A = tpu.sem_alloc : memref<!tpu.dma_semaphore, #tpu.memory_space<semaphore_mem>>
        %dma_start3A_82 = arith.constant 0 : i32
        %dma_start3A_83 = tpu.memref_slice %arg8[%add3A_81, %dma_start3A_82] : memref<40x125xi32, #tpu.memory_space<vmem>> -> memref<1x125xi32, #tpu.memory_space<vmem>>
        %dma_start3A_84 = tpu.memref_squeeze %dma_start3A_83 : memref<1x125xi32, #tpu.memory_space<vmem>> -> memref<125xi32, #tpu.memory_space<vmem>>
        %dma_start3A_85 = arith.constant 0 : i32
        %dma_start3A_86 = arith.constant 0 : i32
        %dma_start3A_87 = tpu.memref_slice %arg11[%dma_start3A_85, %dma_start3A_86] : memref<10000x128xf32, #tpu.memory_space<vmem_shared>> -> memref<10000x128xf32, #tpu.memory_space<vmem_shared>>
        tpu.enqueue_indirect_dma source(%arg10 : memref<125x128xf32, #tpu.memory_space<vmem>>) target(%dma_start3A_87 : memref<10000x128xf32, #tpu.memory_space<vmem_shared>>) offsets(%dma_start3A_84 : memref<125xi32, #tpu.memory_space<vmem>>) semaphore(%run_scoped3A : memref<!tpu.dma_semaphore, #tpu.memory_space<semaphore_mem>>) {add = true}
        %dma_wait3A_88 = arith.constant 0 : i32
        %dma_wait3A_89 = tpu.memref_slice %arg8[%add3A_81, %dma_wait3A_88] : memref<40x125xi32, #tpu.memory_space<vmem>> -> memref<1x125xi32, #tpu.memory_space<vmem>>
        %dma_wait3A_90 = tpu.memref_squeeze %dma_wait3A_89 : memref<1x125xi32, #tpu.memory_space<vmem>> -> memref<125xi32, #tpu.memory_space<vmem>>
        %dma_wait3A_91 = arith.constant 0 : i32
        %dma_wait3A_92 = arith.constant 0 : i32
        %dma_wait3A_93 = tpu.memref_slice %arg11[%dma_wait3A_91, %dma_wait3A_92] : memref<10000x128xf32, #tpu.memory_space<vmem_shared>> -> memref<10000x128xf32, #tpu.memory_space<vmem_shared>>
        tpu.wait_indirect_dma semaphore(%run_scoped3A : memref<!tpu.dma_semaphore, #tpu.memory_space<semaphore_mem>>) src(%arg10 : memref<125x128xf32, #tpu.memory_space<vmem>>) dst(%dma_wait3A_93 : memref<10000x128xf32, #tpu.memory_space<vmem_shared>>)
        tpu.yield
      }) : () -> ()
    }
    %scan3A_42 = arith.constant 20 : i32
    %barrier3A_43 = arith.constant 0 : index
    tpu.barrier barrier_id(%barrier3A_43)
    %lt3A_44 = arith.constant 10 : i32
    %lt3A_45 = arith.cmpi slt, %arg1, %lt3A_44 : i32
    %convert_element_type3A_46 = arith.extui %lt3A_45 : i1 to i32
    %cond3A_47 = arith.constant 0 : i32
    %cond3A_48 = arith.cmpi ne, %convert_element_type3A_46, %cond3A_47 : i32
    scf.if %cond3A_48 {
      %mul3A_49 = arith.constant 1000 : i32
      %mul3A_50 = arith.muli %arg1, %mul3A_49 : i32
      %mul3A_51 = arith.constant 1000 : i32
      %mul3A_52 = arith.muli %arg1, %mul3A_51 : i32
      "tpu.region"() ({
        %run_scoped3A = tpu.sem_alloc : memref<!tpu.dma_semaphore, #tpu.memory_space<semaphore_mem>>
        %dma_start3A_53 = arith.constant 0 : i32
        %dma_start3A_54 = arith.constant 0 : i32
        %dma_start3A_55 = tpu.memref_slice %arg6[%arg0, %dma_start3A_53, %dma_start3A_54] : memref<2x10000x128xf32, #tpu.memory_space<hbm>> -> memref<1x10000x128xf32, #tpu.memory_space<hbm>>
        %dma_start3A_56 = tpu.memref_squeeze %dma_start3A_55 : memref<1x10000x128xf32, #tpu.memory_space<hbm>> -> memref<10000x128xf32, #tpu.memory_space<hbm>>
        %dma_start3A_57 = arith.constant 0 : i32
        %dma_start3A_58 = tpu.memref_slice %dma_start3A_56[%mul3A_52, %dma_start3A_57] : memref<10000x128xf32, #tpu.memory_space<hbm>> -> memref<1000x128xf32, #tpu.memory_space<hbm>>
        %dma_start3A_59 = arith.constant 0 : i32
        %dma_start3A_60 = tpu.memref_slice %arg11[%mul3A_50, %dma_start3A_59] : memref<10000x128xf32, #tpu.memory_space<vmem_shared>> -> memref<1000x128xf32, #tpu.memory_space<vmem_shared>>
        tpu.enqueue_dma source(%dma_start3A_60 : memref<1000x128xf32, #tpu.memory_space<vmem_shared>>) target(%dma_start3A_58 : memref<1000x128xf32, #tpu.memory_space<hbm>>) target_semaphore(%run_scoped3A : memref<!tpu.dma_semaphore, #tpu.memory_space<semaphore_mem>>)
        %dma_wait3A = arith.constant 0 : i32
        %dma_wait3A_61 = arith.constant 0 : i32
        %dma_wait3A_62 = tpu.memref_slice %arg6[%arg0, %dma_wait3A, %dma_wait3A_61] : memref<2x10000x128xf32, #tpu.memory_space<hbm>> -> memref<1x10000x128xf32, #tpu.memory_space<hbm>>
        %dma_wait3A_63 = tpu.memref_squeeze %dma_wait3A_62 : memref<1x10000x128xf32, #tpu.memory_space<hbm>> -> memref<10000x128xf32, #tpu.memory_space<hbm>>
        %dma_wait3A_64 = arith.constant 0 : i32
        %dma_wait3A_65 = tpu.memref_slice %dma_wait3A_63[%mul3A_52, %dma_wait3A_64] : memref<10000x128xf32, #tpu.memory_space<hbm>> -> memref<1000x128xf32, #tpu.memory_space<hbm>>
        %dma_wait3A_66 = arith.constant 0 : i32
        %dma_wait3A_67 = tpu.memref_slice %arg11[%mul3A_50, %dma_wait3A_66] : memref<10000x128xf32, #tpu.memory_space<vmem_shared>> -> memref<1000x128xf32, #tpu.memory_space<vmem_shared>>
        tpu.wait_dma2 semaphore(%run_scoped3A : memref<!tpu.dma_semaphore, #tpu.memory_space<semaphore_mem>>) src(%dma_wait3A_67 : memref<1000x128xf32, #tpu.memory_space<vmem_shared>>) dst(%dma_wait3A_65 : memref<1000x128xf32, #tpu.memory_space<hbm>>)
        tpu.yield
      }) : () -> ()
    } else {
    }
    return
  }
}

#map = affine_map<(d0, d1) -> (0, 0)>
#map1 = affine_map<(d0, d1) -> (0, 0, 0)>
module attributes {stable_mosaic.version = 14 : i64} {
  func.func @_sc_scatter(%arg0: i32, %arg1: i32, %arg2: memref<10000x128xf32, #tpu.memory_space<hbm>>, %arg3: memref<2560x125xi32, #tpu.memory_space<hbm>>, %arg4: memref<2560x125xi32, #tpu.memory_space<hbm>>, %arg5: memref<10000x128xf32, #tpu.memory_space<hbm>>, %arg6: memref<2x10000x128xf32, #tpu.memory_space<hbm>>, %arg7: memref<40x125xi32, #tpu.memory_space<vmem>>, %arg8: memref<40x125xi32, #tpu.memory_space<vmem>>, %arg9: memref<125x128xf32, #tpu.memory_space<vmem>>, %arg10: memref<125x128xf32, #tpu.memory_space<vmem>>, %arg11: memref<10000x128xf32, #tpu.memory_space<vmem_shared>>, %arg12: memref<!tpu.dma_semaphore, #tpu.memory_space<semaphore_mem>>, %arg13: memref<!tpu.dma_semaphore, #tpu.memory_space<semaphore_mem>>) attributes {dimension_semantics = [#tpu.dimension_semantics<core_parallel>, #tpu.dimension_semantics<subcore_parallel>], iteration_bounds = array<i64: 2, 16>, scalar_prefetch = 0 : i64, scratch_operands = 7 : i64, tpu.core_type = #tpu.core_type<sc_vector_subcore>, window_params = [{transform_indices = #map}, {transform_indices = #map}, {transform_indices = #map}, {transform_indices = #map}, {transform_indices = #map1}]} {
    %mul3A = arith.constant 16 : i32
    %mul3A_0 = arith.muli %arg0, %mul3A : i32
    %add3A = arith.addi %mul3A_0, %arg1 : i32
    %lt3A = arith.constant 10 : i32
    %lt3A_1 = arith.cmpi slt, %arg1, %lt3A : i32
    %convert_element_type3A = arith.extui %lt3A_1 : i1 to i32
    %cond3A = arith.constant 0 : i32
    %cond3A_2 = arith.cmpi ne, %convert_element_type3A, %cond3A : i32
    scf.if %cond3A_2 {
      %mul3A_49 = arith.constant 1000 : i32
      %mul3A_50 = arith.muli %arg1, %mul3A_49 : i32
      %mul3A_51 = arith.constant 1000 : i32
      %mul3A_52 = arith.muli %arg1, %mul3A_51 : i32
      "tpu.region"() ({
        %run_scoped3A = tpu.sem_alloc : memref<!tpu.dma_semaphore, #tpu.memory_space<semaphore_mem>>
        %dma_start3A_53 = arith.constant 0 : i32
        %dma_start3A_54 = tpu.memref_slice %arg11[%mul3A_52, %dma_start3A_53] : memref<10000x128xf32, #tpu.memory_space<vmem_shared>> -> memref<1000x128xf32, #tpu.memory_space<vmem_shared>>
        %dma_start3A_55 = arith.constant 0 : i32
        %dma_start3A_56 = tpu.memref_slice %arg5[%mul3A_50, %dma_start3A_55] : memref<10000x128xf32, #tpu.memory_space<hbm>> -> memref<1000x128xf32, #tpu.memory_space<hbm>>
        tpu.enqueue_dma source(%dma_start3A_56 : memref<1000x128xf32, #tpu.memory_space<hbm>>) target(%dma_start3A_54 : memref<1000x128xf32, #tpu.memory_space<vmem_shared>>) target_semaphore(%run_scoped3A : memref<!tpu.dma_semaphore, #tpu.memory_space<semaphore_mem>>)
        %dma_wait3A = arith.constant 0 : i32
        %dma_wait3A_57 = tpu.memref_slice %arg11[%mul3A_52, %dma_wait3A] : memref<10000x128xf32, #tpu.memory_space<vmem_shared>> -> memref<1000x128xf32, #tpu.memory_space<vmem_shared>>
        %dma_wait3A_58 = arith.constant 0 : i32
        %dma_wait3A_59 = tpu.memref_slice %arg5[%mul3A_50, %dma_wait3A_58] : memref<10000x128xf32, #tpu.memory_space<hbm>> -> memref<1000x128xf32, #tpu.memory_space<hbm>>
        tpu.wait_dma2 semaphore(%run_scoped3A : memref<!tpu.dma_semaphore, #tpu.memory_space<semaphore_mem>>) src(%dma_wait3A_59 : memref<1000x128xf32, #tpu.memory_space<hbm>>) dst(%dma_wait3A_57 : memref<1000x128xf32, #tpu.memory_space<vmem_shared>>)
        tpu.yield
      }) : () -> ()
    } else {
    }
    %barrier3A = arith.constant 0 : index
    tpu.barrier barrier_id(%barrier3A)
    %mul3A_3 = arith.constant 80 : i32
    %mul3A_4 = arith.muli %add3A, %mul3A_3 : i32
    %add3A_5 = arith.constant 0 : i32
    %add3A_6 = arith.addi %mul3A_4, %add3A_5 : i32
    "tpu.region"() ({
      %run_scoped3A = tpu.sem_alloc : memref<!tpu.dma_semaphore, #tpu.memory_space<semaphore_mem>>
      %dma_start3A_49 = arith.constant 0 : i32
      %dma_start3A_50 = tpu.memref_slice %arg3[%add3A_6, %dma_start3A_49] : memref<2560x125xi32, #tpu.memory_space<hbm>> -> memref<40x125xi32, #tpu.memory_space<hbm>>
      %dma_start3A_51 = arith.constant 0 : i32
      %dma_start3A_52 = tpu.memref_slice %arg3[%add3A_6, %dma_start3A_51] : memref<2560x125xi32, #tpu.memory_space<hbm>> -> memref<40x125xi32, #tpu.memory_space<hbm>>
      tpu.enqueue_dma source(%dma_start3A_52 : memref<40x125xi32, #tpu.memory_space<hbm>>) target(%arg7 : memref<40x125xi32, #tpu.memory_space<vmem>>) target_semaphore(%run_scoped3A : memref<!tpu.dma_semaphore, #tpu.memory_space<semaphore_mem>>)
      %dma_wait3A = arith.constant 0 : i32
      %dma_wait3A_53 = tpu.memref_slice %arg3[%add3A_6, %dma_wait3A] : memref<2560x125xi32, #tpu.memory_space<hbm>> -> memref<40x125xi32, #tpu.memory_space<hbm>>
      %dma_wait3A_54 = arith.constant 0 : i32
      %dma_wait3A_55 = tpu.memref_slice %arg3[%add3A_6, %dma_wait3A_54] : memref<2560x125xi32, #tpu.memory_space<hbm>> -> memref<40x125xi32, #tpu.memory_space<hbm>>
      tpu.wait_dma2 semaphore(%run_scoped3A : memref<!tpu.dma_semaphore, #tpu.memory_space<semaphore_mem>>) src(%dma_wait3A_55 : memref<40x125xi32, #tpu.memory_space<hbm>>) dst(%arg7 : memref<40x125xi32, #tpu.memory_space<vmem>>)
      tpu.yield
    }) : () -> ()
    %mul3A_7 = arith.constant 80 : i32
    %mul3A_8 = arith.muli %add3A, %mul3A_7 : i32
    %add3A_9 = arith.constant 0 : i32
    %add3A_10 = arith.addi %mul3A_8, %add3A_9 : i32
    "tpu.region"() ({
      %run_scoped3A = tpu.sem_alloc : memref<!tpu.dma_semaphore, #tpu.memory_space<semaphore_mem>>
      %dma_start3A_49 = arith.constant 0 : i32
      %dma_start3A_50 = tpu.memref_slice %arg4[%add3A_10, %dma_start3A_49] : memref<2560x125xi32, #tpu.memory_space<hbm>> -> memref<40x125xi32, #tpu.memory_space<hbm>>
      %dma_start3A_51 = arith.constant 0 : i32
      %dma_start3A_52 = tpu.memref_slice %arg4[%add3A_10, %dma_start3A_51] : memref<2560x125xi32, #tpu.memory_space<hbm>> -> memref<40x125xi32, #tpu.memory_space<hbm>>
      tpu.enqueue_dma source(%dma_start3A_52 : memref<40x125xi32, #tpu.memory_space<hbm>>) target(%arg8 : memref<40x125xi32, #tpu.memory_space<vmem>>) target_semaphore(%run_scoped3A : memref<!tpu.dma_semaphore, #tpu.memory_space<semaphore_mem>>)
      %dma_wait3A = arith.constant 0 : i32
      %dma_wait3A_53 = tpu.memref_slice %arg4[%add3A_10, %dma_wait3A] : memref<2560x125xi32, #tpu.memory_space<hbm>> -> memref<40x125xi32, #tpu.memory_space<hbm>>
      %dma_wait3A_54 = arith.constant 0 : i32
      %dma_wait3A_55 = tpu.memref_slice %arg4[%add3A_10, %dma_wait3A_54] : memref<2560x125xi32, #tpu.memory_space<hbm>> -> memref<40x125xi32, #tpu.memory_space<hbm>>
      tpu.wait_dma2 semaphore(%run_scoped3A : memref<!tpu.dma_semaphore, #tpu.memory_space<semaphore_mem>>) src(%dma_wait3A_55 : memref<40x125xi32, #tpu.memory_space<hbm>>) dst(%arg8 : memref<40x125xi32, #tpu.memory_space<vmem>>)
      tpu.yield
    }) : () -> ()
    %dma_start3A = arith.constant 0 : i32
    %dma_start3A_11 = arith.constant 0 : i32
    %dma_start3A_12 = tpu.memref_slice %arg7[%dma_start3A, %dma_start3A_11] : memref<40x125xi32, #tpu.memory_space<vmem>> -> memref<1x125xi32, #tpu.memory_space<vmem>>
    %dma_start3A_13 = tpu.memref_squeeze %dma_start3A_12 : memref<1x125xi32, #tpu.memory_space<vmem>> -> memref<125xi32, #tpu.memory_space<vmem>>
    %dma_start3A_14 = arith.constant 0 : i32
    %dma_start3A_15 = arith.constant 0 : i32
    %dma_start3A_16 = tpu.memref_slice %arg2[%dma_start3A_14, %dma_start3A_15] : memref<10000x128xf32, #tpu.memory_space<hbm>> -> memref<10000x128xf32, #tpu.memory_space<hbm>>
    tpu.enqueue_indirect_dma source(%dma_start3A_16 : memref<10000x128xf32, #tpu.memory_space<hbm>>) target(%arg9 : memref<125x128xf32, #tpu.memory_space<vmem>>) offsets(%dma_start3A_13 : memref<125xi32, #tpu.memory_space<vmem>>) semaphore(%arg12 : memref<!tpu.dma_semaphore, #tpu.memory_space<semaphore_mem>>)
    %scan3A = arith.constant 0 : i32
    %scan3A_17 = arith.constant 0 : i32
    %scan3A_18 = arith.constant 20 : i32
    %scan3A_19 = arith.addi %scan3A_17, %scan3A_18 : i32
    %scan3A_20 = arith.constant 1 : i32
    scf.for %scan3A_49 = %scan3A_17 to %scan3A_19 step %scan3A_20  : i32 {
      %mul3A_50 = arith.constant 2 : i32
      %mul3A_51 = arith.muli %mul3A_50, %scan3A_49 : i32
      %add3A_52 = arith.constant 1 : i32
      %add3A_53 = arith.addi %mul3A_51, %add3A_52 : i32
      %dma_start3A_54 = arith.constant 0 : i32
      %dma_start3A_55 = tpu.memref_slice %arg7[%add3A_53, %dma_start3A_54] : memref<40x125xi32, #tpu.memory_space<vmem>> -> memref<1x125xi32, #tpu.memory_space<vmem>>
      %dma_start3A_56 = tpu.memref_squeeze %dma_start3A_55 : memref<1x125xi32, #tpu.memory_space<vmem>> -> memref<125xi32, #tpu.memory_space<vmem>>
      %dma_start3A_57 = arith.constant 0 : i32
      %dma_start3A_58 = arith.constant 0 : i32
      %dma_start3A_59 = tpu.memref_slice %arg2[%dma_start3A_57, %dma_start3A_58] : memref<10000x128xf32, #tpu.memory_space<hbm>> -> memref<10000x128xf32, #tpu.memory_space<hbm>>
      tpu.enqueue_indirect_dma source(%dma_start3A_59 : memref<10000x128xf32, #tpu.memory_space<hbm>>) target(%arg10 : memref<125x128xf32, #tpu.memory_space<vmem>>) offsets(%dma_start3A_56 : memref<125xi32, #tpu.memory_space<vmem>>) semaphore(%arg13 : memref<!tpu.dma_semaphore, #tpu.memory_space<semaphore_mem>>)
      %dma_wait3A = arith.constant 0 : i32
      %dma_wait3A_60 = tpu.memref_slice %arg7[%mul3A_51, %dma_wait3A] : memref<40x125xi32, #tpu.memory_space<vmem>> -> memref<1x125xi32, #tpu.memory_space<vmem>>
      %dma_wait3A_61 = tpu.memref_squeeze %dma_wait3A_60 : memref<1x125xi32, #tpu.memory_space<vmem>> -> memref<125xi32, #tpu.memory_space<vmem>>
      %dma_wait3A_62 = arith.constant 0 : i32
      %dma_wait3A_63 = arith.constant 0 : i32
      %dma_wait3A_64 = tpu.memref_slice %arg2[%dma_wait3A_62, %dma_wait3A_63] : memref<10000x128xf32, #tpu.memory_space<hbm>> -> memref<10000x128xf32, #tpu.memory_space<hbm>>
      tpu.wait_indirect_dma semaphore(%arg12 : memref<!tpu.dma_semaphore, #tpu.memory_space<semaphore_mem>>) src(%dma_wait3A_64 : memref<10000x128xf32, #tpu.memory_space<hbm>>) dst(%arg9 : memref<125x128xf32, #tpu.memory_space<vmem>>)
      "tpu.region"() ({
        %run_scoped3A = tpu.sem_alloc : memref<!tpu.dma_semaphore, #tpu.memory_space<semaphore_mem>>
        %dma_start3A_82 = arith.constant 0 : i32
        %dma_start3A_83 = tpu.memref_slice %arg8[%mul3A_51, %dma_start3A_82] : memref<40x125xi32, #tpu.memory_space<vmem>> -> memref<1x125xi32, #tpu.memory_space<vmem>>
        %dma_start3A_84 = tpu.memref_squeeze %dma_start3A_83 : memref<1x125xi32, #tpu.memory_space<vmem>> -> memref<125xi32, #tpu.memory_space<vmem>>
        %dma_start3A_85 = arith.constant 0 : i32
        %dma_start3A_86 = arith.constant 0 : i32
        %dma_start3A_87 = tpu.memref_slice %arg11[%dma_start3A_85, %dma_start3A_86] : memref<10000x128xf32, #tpu.memory_space<vmem_shared>> -> memref<10000x128xf32, #tpu.memory_space<vmem_shared>>
        tpu.enqueue_indirect_dma source(%arg9 : memref<125x128xf32, #tpu.memory_space<vmem>>) target(%dma_start3A_87 : memref<10000x128xf32, #tpu.memory_space<vmem_shared>>) offsets(%dma_start3A_84 : memref<125xi32, #tpu.memory_space<vmem>>) semaphore(%run_scoped3A : memref<!tpu.dma_semaphore, #tpu.memory_space<semaphore_mem>>) {add = true}
        %dma_wait3A_88 = arith.constant 0 : i32
        %dma_wait3A_89 = tpu.memref_slice %arg8[%mul3A_51, %dma_wait3A_88] : memref<40x125xi32, #tpu.memory_space<vmem>> -> memref<1x125xi32, #tpu.memory_space<vmem>>
        %dma_wait3A_90 = tpu.memref_squeeze %dma_wait3A_89 : memref<1x125xi32, #tpu.memory_space<vmem>> -> memref<125xi32, #tpu.memory_space<vmem>>
        %dma_wait3A_91 = arith.constant 0 : i32
        %dma_wait3A_92 = arith.constant 0 : i32
        %dma_wait3A_93 = tpu.memref_slice %arg11[%dma_wait3A_91, %dma_wait3A_92] : memref<10000x128xf32, #tpu.memory_space<vmem_shared>> -> memref<10000x128xf32, #tpu.memory_space<vmem_shared>>
        tpu.wait_indirect_dma semaphore(%run_scoped3A : memref<!tpu.dma_semaphore, #tpu.memory_space<semaphore_mem>>) src(%arg9 : memref<125x128xf32, #tpu.memory_space<vmem>>) dst(%dma_wait3A_93 : memref<10000x128xf32, #tpu.memory_space<vmem_shared>>)
        tpu.yield
      }) : () -> ()
      %add3A_65 = arith.constant 2 : i32
      %add3A_66 = arith.addi %mul3A_51, %add3A_65 : i32
      %lt3A_67 = arith.constant 40 : i32
      %lt3A_68 = arith.cmpi slt, %add3A_66, %lt3A_67 : i32
      %convert_element_type3A_69 = arith.extui %lt3A_68 : i1 to i32
      %cond3A_70 = arith.constant 0 : i32
      %cond3A_71 = arith.cmpi ne, %convert_element_type3A_69, %cond3A_70 : i32
      scf.if %cond3A_71 {
        %add3A_82 = arith.constant 2 : i32
        %add3A_83 = arith.addi %mul3A_51, %add3A_82 : i32
        %dma_start3A_84 = arith.constant 0 : i32
        %dma_start3A_85 = tpu.memref_slice %arg7[%add3A_83, %dma_start3A_84] : memref<40x125xi32, #tpu.memory_space<vmem>> -> memref<1x125xi32, #tpu.memory_space<vmem>>
        %dma_start3A_86 = tpu.memref_squeeze %dma_start3A_85 : memref<1x125xi32, #tpu.memory_space<vmem>> -> memref<125xi32, #tpu.memory_space<vmem>>
        %dma_start3A_87 = arith.constant 0 : i32
        %dma_start3A_88 = arith.constant 0 : i32
        %dma_start3A_89 = tpu.memref_slice %arg2[%dma_start3A_87, %dma_start3A_88] : memref<10000x128xf32, #tpu.memory_space<hbm>> -> memref<10000x128xf32, #tpu.memory_space<hbm>>
        tpu.enqueue_indirect_dma source(%dma_start3A_89 : memref<10000x128xf32, #tpu.memory_space<hbm>>) target(%arg9 : memref<125x128xf32, #tpu.memory_space<vmem>>) offsets(%dma_start3A_86 : memref<125xi32, #tpu.memory_space<vmem>>) semaphore(%arg12 : memref<!tpu.dma_semaphore, #tpu.memory_space<semaphore_mem>>)
      } else {
      }
      %add3A_72 = arith.constant 1 : i32
      %add3A_73 = arith.addi %mul3A_51, %add3A_72 : i32
      %dma_wait3A_74 = arith.constant 0 : i32
      %dma_wait3A_75 = tpu.memref_slice %arg7[%add3A_73, %dma_wait3A_74] : memref<40x125xi32, #tpu.memory_space<vmem>> -> memref<1x125xi32, #tpu.memory_space<vmem>>
      %dma_wait3A_76 = tpu.memref_squeeze %dma_wait3A_75 : memref<1x125xi32, #tpu.memory_space<vmem>> -> memref<125xi32, #tpu.memory_space<vmem>>
      %dma_wait3A_77 = arith.constant 0 : i32
      %dma_wait3A_78 = arith.constant 0 : i32
      %dma_wait3A_79 = tpu.memref_slice %arg2[%dma_wait3A_77, %dma_wait3A_78] : memref<10000x128xf32, #tpu.memory_space<hbm>> -> memref<10000x128xf32, #tpu.memory_space<hbm>>
      tpu.wait_indirect_dma semaphore(%arg13 : memref<!tpu.dma_semaphore, #tpu.memory_space<semaphore_mem>>) src(%dma_wait3A_79 : memref<10000x128xf32, #tpu.memory_space<hbm>>) dst(%arg10 : memref<125x128xf32, #tpu.memory_space<vmem>>)
      %add3A_80 = arith.constant 1 : i32
      %add3A_81 = arith.addi %mul3A_51, %add3A_80 : i32
      "tpu.region"() ({
        %run_scoped3A = tpu.sem_alloc : memref<!tpu.dma_semaphore, #tpu.memory_space<semaphore_mem>>
        %dma_start3A_82 = arith.constant 0 : i32
        %dma_start3A_83 = tpu.memref_slice %arg8[%add3A_81, %dma_start3A_82] : memref<40x125xi32, #tpu.memory_space<vmem>> -> memref<1x125xi32, #tpu.memory_space<vmem>>
        %dma_start3A_84 = tpu.memref_squeeze %dma_start3A_83 : memref<1x125xi32, #tpu.memory_space<vmem>> -> memref<125xi32, #tpu.memory_space<vmem>>
        %dma_start3A_85 = arith.constant 0 : i32
        %dma_start3A_86 = arith.constant 0 : i32
        %dma_start3A_87 = tpu.memref_slice %arg11[%dma_start3A_85, %dma_start3A_86] : memref<10000x128xf32, #tpu.memory_space<vmem_shared>> -> memref<10000x128xf32, #tpu.memory_space<vmem_shared>>
        tpu.enqueue_indirect_dma source(%arg10 : memref<125x128xf32, #tpu.memory_space<vmem>>) target(%dma_start3A_87 : memref<10000x128xf32, #tpu.memory_space<vmem_shared>>) offsets(%dma_start3A_84 : memref<125xi32, #tpu.memory_space<vmem>>) semaphore(%run_scoped3A : memref<!tpu.dma_semaphore, #tpu.memory_space<semaphore_mem>>) {add = true}
        %dma_wait3A_88 = arith.constant 0 : i32
        %dma_wait3A_89 = tpu.memref_slice %arg8[%add3A_81, %dma_wait3A_88] : memref<40x125xi32, #tpu.memory_space<vmem>> -> memref<1x125xi32, #tpu.memory_space<vmem>>
        %dma_wait3A_90 = tpu.memref_squeeze %dma_wait3A_89 : memref<1x125xi32, #tpu.memory_space<vmem>> -> memref<125xi32, #tpu.memory_space<vmem>>
        %dma_wait3A_91 = arith.constant 0 : i32
        %dma_wait3A_92 = arith.constant 0 : i32
        %dma_wait3A_93 = tpu.memref_slice %arg11[%dma_wait3A_91, %dma_wait3A_92] : memref<10000x128xf32, #tpu.memory_space<vmem_shared>> -> memref<10000x128xf32, #tpu.memory_space<vmem_shared>>
        tpu.wait_indirect_dma semaphore(%run_scoped3A : memref<!tpu.dma_semaphore, #tpu.memory_space<semaphore_mem>>) src(%arg10 : memref<125x128xf32, #tpu.memory_space<vmem>>) dst(%dma_wait3A_93 : memref<10000x128xf32, #tpu.memory_space<vmem_shared>>)
        tpu.yield
      }) : () -> ()
    }
    %scan3A_21 = arith.constant 20 : i32
    %mul3A_22 = arith.constant 80 : i32
    %mul3A_23 = arith.muli %add3A, %mul3A_22 : i32
    %add3A_24 = arith.constant 40 : i32
    %add3A_25 = arith.addi %mul3A_23, %add3A_24 : i32
    "tpu.region"() ({
      %run_scoped3A = tpu.sem_alloc : memref<!tpu.dma_semaphore, #tpu.memory_space<semaphore_mem>>
      %dma_start3A_49 = arith.constant 0 : i32
      %dma_start3A_50 = tpu.memref_slice %arg3[%add3A_25, %dma_start3A_49] : memref<2560x125xi32, #tpu.memory_space<hbm>> -> memref<40x125xi32, #tpu.memory_space<hbm>>
      %dma_start3A_51 = arith.constant 0 : i32
      %dma_start3A_52 = tpu.memref_slice %arg3[%add3A_25, %dma_start3A_51] : memref<2560x125xi32, #tpu.memory_space<hbm>> -> memref<40x125xi32, #tpu.memory_space<hbm>>
      tpu.enqueue_dma source(%dma_start3A_52 : memref<40x125xi32, #tpu.memory_space<hbm>>) target(%arg7 : memref<40x125xi32, #tpu.memory_space<vmem>>) target_semaphore(%run_scoped3A : memref<!tpu.dma_semaphore, #tpu.memory_space<semaphore_mem>>)
      %dma_wait3A = arith.constant 0 : i32
      %dma_wait3A_53 = tpu.memref_slice %arg3[%add3A_25, %dma_wait3A] : memref<2560x125xi32, #tpu.memory_space<hbm>> -> memref<40x125xi32, #tpu.memory_space<hbm>>
      %dma_wait3A_54 = arith.constant 0 : i32
      %dma_wait3A_55 = tpu.memref_slice %arg3[%add3A_25, %dma_wait3A_54] : memref<2560x125xi32, #tpu.memory_space<hbm>> -> memref<40x125xi32, #tpu.memory_space<hbm>>
      tpu.wait_dma2 semaphore(%run_scoped3A : memref<!tpu.dma_semaphore, #tpu.memory_space<semaphore_mem>>) src(%dma_wait3A_55 : memref<40x125xi32, #tpu.memory_space<hbm>>) dst(%arg7 : memref<40x125xi32, #tpu.memory_space<vmem>>)
      tpu.yield
    }) : () -> ()
    %mul3A_26 = arith.constant 80 : i32
    %mul3A_27 = arith.muli %add3A, %mul3A_26 : i32
    %add3A_28 = arith.constant 40 : i32
    %add3A_29 = arith.addi %mul3A_27, %add3A_28 : i32
    "tpu.region"() ({
      %run_scoped3A = tpu.sem_alloc : memref<!tpu.dma_semaphore, #tpu.memory_space<semaphore_mem>>
      %dma_start3A_49 = arith.constant 0 : i32
      %dma_start3A_50 = tpu.memref_slice %arg4[%add3A_29, %dma_start3A_49] : memref<2560x125xi32, #tpu.memory_space<hbm>> -> memref<40x125xi32, #tpu.memory_space<hbm>>
      %dma_start3A_51 = arith.constant 0 : i32
      %dma_start3A_52 = tpu.memref_slice %arg4[%add3A_29, %dma_start3A_51] : memref<2560x125xi32, #tpu.memory_space<hbm>> -> memref<40x125xi32, #tpu.memory_space<hbm>>
      tpu.enqueue_dma source(%dma_start3A_52 : memref<40x125xi32, #tpu.memory_space<hbm>>) target(%arg8 : memref<40x125xi32, #tpu.memory_space<vmem>>) target_semaphore(%run_scoped3A : memref<!tpu.dma_semaphore, #tpu.memory_space<semaphore_mem>>)
      %dma_wait3A = arith.constant 0 : i32
      %dma_wait3A_53 = tpu.memref_slice %arg4[%add3A_29, %dma_wait3A] : memref<2560x125xi32, #tpu.memory_space<hbm>> -> memref<40x125xi32, #tpu.memory_space<hbm>>
      %dma_wait3A_54 = arith.constant 0 : i32
      %dma_wait3A_55 = tpu.memref_slice %arg4[%add3A_29, %dma_wait3A_54] : memref<2560x125xi32, #tpu.memory_space<hbm>> -> memref<40x125xi32, #tpu.memory_space<hbm>>
      tpu.wait_dma2 semaphore(%run_scoped3A : memref<!tpu.dma_semaphore, #tpu.memory_space<semaphore_mem>>) src(%dma_wait3A_55 : memref<40x125xi32, #tpu.memory_space<hbm>>) dst(%arg8 : memref<40x125xi32, #tpu.memory_space<vmem>>)
      tpu.yield
    }) : () -> ()
    %dma_start3A_30 = arith.constant 0 : i32
    %dma_start3A_31 = arith.constant 0 : i32
    %dma_start3A_32 = tpu.memref_slice %arg7[%dma_start3A_30, %dma_start3A_31] : memref<40x125xi32, #tpu.memory_space<vmem>> -> memref<1x125xi32, #tpu.memory_space<vmem>>
    %dma_start3A_33 = tpu.memref_squeeze %dma_start3A_32 : memref<1x125xi32, #tpu.memory_space<vmem>> -> memref<125xi32, #tpu.memory_space<vmem>>
    %dma_start3A_34 = arith.constant 0 : i32
    %dma_start3A_35 = arith.constant 0 : i32
    %dma_start3A_36 = tpu.memref_slice %arg2[%dma_start3A_34, %dma_start3A_35] : memref<10000x128xf32, #tpu.memory_space<hbm>> -> memref<10000x128xf32, #tpu.memory_space<hbm>>
    tpu.enqueue_indirect_dma source(%dma_start3A_36 : memref<10000x128xf32, #tpu.memory_space<hbm>>) target(%arg9 : memref<125x128xf32, #tpu.memory_space<vmem>>) offsets(%dma_start3A_33 : memref<125xi32, #tpu.memory_space<vmem>>) semaphore(%arg12 : memref<!tpu.dma_semaphore, #tpu.memory_space<semaphore_mem>>)
    %scan3A_37 = arith.constant 0 : i32
    %scan3A_38 = arith.constant 0 : i32
    %scan3A_39 = arith.constant 20 : i32
    %scan3A_40 = arith.addi %scan3A_38, %scan3A_39 : i32
    %scan3A_41 = arith.constant 1 : i32
    scf.for %scan3A_49 = %scan3A_38 to %scan3A_40 step %scan3A_41  : i32 {
      %mul3A_50 = arith.constant 2 : i32
      %mul3A_51 = arith.muli %mul3A_50, %scan3A_49 : i32
      %add3A_52 = arith.constant 1 : i32
      %add3A_53 = arith.addi %mul3A_51, %add3A_52 : i32
      %dma_start3A_54 = arith.constant 0 : i32
      %dma_start3A_55 = tpu.memref_slice %arg7[%add3A_53, %dma_start3A_54] : memref<40x125xi32, #tpu.memory_space<vmem>> -> memref<1x125xi32, #tpu.memory_space<vmem>>
      %dma_start3A_56 = tpu.memref_squeeze %dma_start3A_55 : memref<1x125xi32, #tpu.memory_space<vmem>> -> memref<125xi32, #tpu.memory_space<vmem>>
      %dma_start3A_57 = arith.constant 0 : i32
      %dma_start3A_58 = arith.constant 0 : i32
      %dma_start3A_59 = tpu.memref_slice %arg2[%dma_start3A_57, %dma_start3A_58] : memref<10000x128xf32, #tpu.memory_space<hbm>> -> memref<10000x128xf32, #tpu.memory_space<hbm>>
      tpu.enqueue_indirect_dma source(%dma_start3A_59 : memref<10000x128xf32, #tpu.memory_space<hbm>>) target(%arg10 : memref<125x128xf32, #tpu.memory_space<vmem>>) offsets(%dma_start3A_56 : memref<125xi32, #tpu.memory_space<vmem>>) semaphore(%arg13 : memref<!tpu.dma_semaphore, #tpu.memory_space<semaphore_mem>>)
      %dma_wait3A = arith.constant 0 : i32
      %dma_wait3A_60 = tpu.memref_slice %arg7[%mul3A_51, %dma_wait3A] : memref<40x125xi32, #tpu.memory_space<vmem>> -> memref<1x125xi32, #tpu.memory_space<vmem>>
      %dma_wait3A_61 = tpu.memref_squeeze %dma_wait3A_60 : memref<1x125xi32, #tpu.memory_space<vmem>> -> memref<125xi32, #tpu.memory_space<vmem>>
      %dma_wait3A_62 = arith.constant 0 : i32
      %dma_wait3A_63 = arith.constant 0 : i32
      %dma_wait3A_64 = tpu.memref_slice %arg2[%dma_wait3A_62, %dma_wait3A_63] : memref<10000x128xf32, #tpu.memory_space<hbm>> -> memref<10000x128xf32, #tpu.memory_space<hbm>>
      tpu.wait_indirect_dma semaphore(%arg12 : memref<!tpu.dma_semaphore, #tpu.memory_space<semaphore_mem>>) src(%dma_wait3A_64 : memref<10000x128xf32, #tpu.memory_space<hbm>>) dst(%arg9 : memref<125x128xf32, #tpu.memory_space<vmem>>)
      "tpu.region"() ({
        %run_scoped3A = tpu.sem_alloc : memref<!tpu.dma_semaphore, #tpu.memory_space<semaphore_mem>>
        %dma_start3A_82 = arith.constant 0 : i32
        %dma_start3A_83 = tpu.memref_slice %arg8[%mul3A_51, %dma_start3A_82] : memref<40x125xi32, #tpu.memory_space<vmem>> -> memref<1x125xi32, #tpu.memory_space<vmem>>
        %dma_start3A_84 = tpu.memref_squeeze %dma_start3A_83 : memref<1x125xi32, #tpu.memory_space<vmem>> -> memref<125xi32, #tpu.memory_space<vmem>>
        %dma_start3A_85 = arith.constant 0 : i32
        %dma_start3A_86 = arith.constant 0 : i32
        %dma_start3A_87 = tpu.memref_slice %arg11[%dma_start3A_85, %dma_start3A_86] : memref<10000x128xf32, #tpu.memory_space<vmem_shared>> -> memref<10000x128xf32, #tpu.memory_space<vmem_shared>>
        tpu.enqueue_indirect_dma source(%arg9 : memref<125x128xf32, #tpu.memory_space<vmem>>) target(%dma_start3A_87 : memref<10000x128xf32, #tpu.memory_space<vmem_shared>>) offsets(%dma_start3A_84 : memref<125xi32, #tpu.memory_space<vmem>>) semaphore(%run_scoped3A : memref<!tpu.dma_semaphore, #tpu.memory_space<semaphore_mem>>) {add = true}
        %dma_wait3A_88 = arith.constant 0 : i32
        %dma_wait3A_89 = tpu.memref_slice %arg8[%mul3A_51, %dma_wait3A_88] : memref<40x125xi32, #tpu.memory_space<vmem>> -> memref<1x125xi32, #tpu.memory_space<vmem>>
        %dma_wait3A_90 = tpu.memref_squeeze %dma_wait3A_89 : memref<1x125xi32, #tpu.memory_space<vmem>> -> memref<125xi32, #tpu.memory_space<vmem>>
        %dma_wait3A_91 = arith.constant 0 : i32
        %dma_wait3A_92 = arith.constant 0 : i32
        %dma_wait3A_93 = tpu.memref_slice %arg11[%dma_wait3A_91, %dma_wait3A_92] : memref<10000x128xf32, #tpu.memory_space<vmem_shared>> -> memref<10000x128xf32, #tpu.memory_space<vmem_shared>>
        tpu.wait_indirect_dma semaphore(%run_scoped3A : memref<!tpu.dma_semaphore, #tpu.memory_space<semaphore_mem>>) src(%arg9 : memref<125x128xf32, #tpu.memory_space<vmem>>) dst(%dma_wait3A_93 : memref<10000x128xf32, #tpu.memory_space<vmem_shared>>)
        tpu.yield
      }) : () -> ()
      %add3A_65 = arith.constant 2 : i32
      %add3A_66 = arith.addi %mul3A_51, %add3A_65 : i32
      %lt3A_67 = arith.constant 40 : i32
      %lt3A_68 = arith.cmpi slt, %add3A_66, %lt3A_67 : i32
      %convert_element_type3A_69 = arith.extui %lt3A_68 : i1 to i32
      %cond3A_70 = arith.constant 0 : i32
      %cond3A_71 = arith.cmpi ne, %convert_element_type3A_69, %cond3A_70 : i32
      scf.if %cond3A_71 {
        %add3A_82 = arith.constant 2 : i32
        %add3A_83 = arith.addi %mul3A_51, %add3A_82 : i32
        %dma_start3A_84 = arith.constant 0 : i32
        %dma_start3A_85 = tpu.memref_slice %arg7[%add3A_83, %dma_start3A_84] : memref<40x125xi32, #tpu.memory_space<vmem>> -> memref<1x125xi32, #tpu.memory_space<vmem>>
        %dma_start3A_86 = tpu.memref_squeeze %dma_start3A_85 : memref<1x125xi32, #tpu.memory_space<vmem>> -> memref<125xi32, #tpu.memory_space<vmem>>
        %dma_start3A_87 = arith.constant 0 : i32
        %dma_start3A_88 = arith.constant 0 : i32
        %dma_start3A_89 = tpu.memref_slice %arg2[%dma_start3A_87, %dma_start3A_88] : memref<10000x128xf32, #tpu.memory_space<hbm>> -> memref<10000x128xf32, #tpu.memory_space<hbm>>
        tpu.enqueue_indirect_dma source(%dma_start3A_89 : memref<10000x128xf32, #tpu.memory_space<hbm>>) target(%arg9 : memref<125x128xf32, #tpu.memory_space<vmem>>) offsets(%dma_start3A_86 : memref<125xi32, #tpu.memory_space<vmem>>) semaphore(%arg12 : memref<!tpu.dma_semaphore, #tpu.memory_space<semaphore_mem>>)
      } else {
      }
      %add3A_72 = arith.constant 1 : i32
      %add3A_73 = arith.addi %mul3A_51, %add3A_72 : i32
      %dma_wait3A_74 = arith.constant 0 : i32
      %dma_wait3A_75 = tpu.memref_slice %arg7[%add3A_73, %dma_wait3A_74] : memref<40x125xi32, #tpu.memory_space<vmem>> -> memref<1x125xi32, #tpu.memory_space<vmem>>
      %dma_wait3A_76 = tpu.memref_squeeze %dma_wait3A_75 : memref<1x125xi32, #tpu.memory_space<vmem>> -> memref<125xi32, #tpu.memory_space<vmem>>
      %dma_wait3A_77 = arith.constant 0 : i32
      %dma_wait3A_78 = arith.constant 0 : i32
      %dma_wait3A_79 = tpu.memref_slice %arg2[%dma_wait3A_77, %dma_wait3A_78] : memref<10000x128xf32, #tpu.memory_space<hbm>> -> memref<10000x128xf32, #tpu.memory_space<hbm>>
      tpu.wait_indirect_dma semaphore(%arg13 : memref<!tpu.dma_semaphore, #tpu.memory_space<semaphore_mem>>) src(%dma_wait3A_79 : memref<10000x128xf32, #tpu.memory_space<hbm>>) dst(%arg10 : memref<125x128xf32, #tpu.memory_space<vmem>>)
      %add3A_80 = arith.constant 1 : i32
      %add3A_81 = arith.addi %mul3A_51, %add3A_80 : i32
      "tpu.region"() ({
        %run_scoped3A = tpu.sem_alloc : memref<!tpu.dma_semaphore, #tpu.memory_space<semaphore_mem>>
        %dma_start3A_82 = arith.constant 0 : i32
        %dma_start3A_83 = tpu.memref_slice %arg8[%add3A_81, %dma_start3A_82] : memref<40x125xi32, #tpu.memory_space<vmem>> -> memref<1x125xi32, #tpu.memory_space<vmem>>
        %dma_start3A_84 = tpu.memref_squeeze %dma_start3A_83 : memref<1x125xi32, #tpu.memory_space<vmem>> -> memref<125xi32, #tpu.memory_space<vmem>>
        %dma_start3A_85 = arith.constant 0 : i32
        %dma_start3A_86 = arith.constant 0 : i32
        %dma_start3A_87 = tpu.memref_slice %arg11[%dma_start3A_85, %dma_start3A_86] : memref<10000x128xf32, #tpu.memory_space<vmem_shared>> -> memref<10000x128xf32, #tpu.memory_space<vmem_shared>>
        tpu.enqueue_indirect_dma source(%arg10 : memref<125x128xf32, #tpu.memory_space<vmem>>) target(%dma_start3A_87 : memref<10000x128xf32, #tpu.memory_space<vmem_shared>>) offsets(%dma_start3A_84 : memref<125xi32, #tpu.memory_space<vmem>>) semaphore(%run_scoped3A : memref<!tpu.dma_semaphore, #tpu.memory_space<semaphore_mem>>) {add = true}
        %dma_wait3A_88 = arith.constant 0 : i32
        %dma_wait3A_89 = tpu.memref_slice %arg8[%add3A_81, %dma_wait3A_88] : memref<40x125xi32, #tpu.memory_space<vmem>> -> memref<1x125xi32, #tpu.memory_space<vmem>>
        %dma_wait3A_90 = tpu.memref_squeeze %dma_wait3A_89 : memref<1x125xi32, #tpu.memory_space<vmem>> -> memref<125xi32, #tpu.memory_space<vmem>>
        %dma_wait3A_91 = arith.constant 0 : i32
        %dma_wait3A_92 = arith.constant 0 : i32
        %dma_wait3A_93 = tpu.memref_slice %arg11[%dma_wait3A_91, %dma_wait3A_92] : memref<10000x128xf32, #tpu.memory_space<vmem_shared>> -> memref<10000x128xf32, #tpu.memory_space<vmem_shared>>
        tpu.wait_indirect_dma semaphore(%run_scoped3A : memref<!tpu.dma_semaphore, #tpu.memory_space<semaphore_mem>>) src(%arg10 : memref<125x128xf32, #tpu.memory_space<vmem>>) dst(%dma_wait3A_93 : memref<10000x128xf32, #tpu.memory_space<vmem_shared>>)
        tpu.yield
      }) : () -> ()
    }
    %scan3A_42 = arith.constant 20 : i32
    %barrier3A_43 = arith.constant 0 : index
    tpu.barrier barrier_id(%barrier3A_43)
    %lt3A_44 = arith.constant 10 : i32
    %lt3A_45 = arith.cmpi slt, %arg1, %lt3A_44 : i32
    %convert_element_type3A_46 = arith.extui %lt3A_45 : i1 to i32
    %cond3A_47 = arith.constant 0 : i32
    %cond3A_48 = arith.cmpi ne, %convert_element_type3A_46, %cond3A_47 : i32
    scf.if %cond3A_48 {
      %mul3A_49 = arith.constant 1000 : i32
      %mul3A_50 = arith.muli %arg1, %mul3A_49 : i32
      %mul3A_51 = arith.constant 1000 : i32
      %mul3A_52 = arith.muli %arg1, %mul3A_51 : i32
      "tpu.region"() ({
        %run_scoped3A = tpu.sem_alloc : memref<!tpu.dma_semaphore, #tpu.memory_space<semaphore_mem>>
        %dma_start3A_53 = arith.constant 0 : i32
        %dma_start3A_54 = arith.constant 0 : i32
        %dma_start3A_55 = tpu.memref_slice %arg6[%arg0, %dma_start3A_53, %dma_start3A_54] : memref<2x10000x128xf32, #tpu.memory_space<hbm>> -> memref<1x10000x128xf32, #tpu.memory_space<hbm>>
        %dma_start3A_56 = tpu.memref_squeeze %dma_start3A_55 : memref<1x10000x128xf32, #tpu.memory_space<hbm>> -> memref<10000x128xf32, #tpu.memory_space<hbm>>
        %dma_start3A_57 = arith.constant 0 : i32
        %dma_start3A_58 = tpu.memref_slice %dma_start3A_56[%mul3A_52, %dma_start3A_57] : memref<10000x128xf32, #tpu.memory_space<hbm>> -> memref<1000x128xf32, #tpu.memory_space<hbm>>
        %dma_start3A_59 = arith.constant 0 : i32
        %dma_start3A_60 = tpu.memref_slice %arg11[%mul3A_50, %dma_start3A_59] : memref<10000x128xf32, #tpu.memory_space<vmem_shared>> -> memref<1000x128xf32, #tpu.memory_space<vmem_shared>>
        tpu.enqueue_dma source(%dma_start3A_60 : memref<1000x128xf32, #tpu.memory_space<vmem_shared>>) target(%dma_start3A_58 : memref<1000x128xf32, #tpu.memory_space<hbm>>) target_semaphore(%run_scoped3A : memref<!tpu.dma_semaphore, #tpu.memory_space<semaphore_mem>>)
        %dma_wait3A = arith.constant 0 : i32
        %dma_wait3A_61 = arith.constant 0 : i32
        %dma_wait3A_62 = tpu.memref_slice %arg6[%arg0, %dma_wait3A, %dma_wait3A_61] : memref<2x10000x128xf32, #tpu.memory_space<hbm>> -> memref<1x10000x128xf32, #tpu.memory_space<hbm>>
        %dma_wait3A_63 = tpu.memref_squeeze %dma_wait3A_62 : memref<1x10000x128xf32, #tpu.memory_space<hbm>> -> memref<10000x128xf32, #tpu.memory_space<hbm>>
        %dma_wait3A_64 = arith.constant 0 : i32
        %dma_wait3A_65 = tpu.memref_slice %dma_wait3A_63[%mul3A_52, %dma_wait3A_64] : memref<10000x128xf32, #tpu.memory_space<hbm>> -> memref<1000x128xf32, #tpu.memory_space<hbm>>
        %dma_wait3A_66 = arith.constant 0 : i32
        %dma_wait3A_67 = tpu.memref_slice %arg11[%mul3A_50, %dma_wait3A_66] : memref<10000x128xf32, #tpu.memory_space<vmem_shared>> -> memref<1000x128xf32, #tpu.memory_space<vmem_shared>>
        tpu.wait_dma2 semaphore(%run_scoped3A : memref<!tpu.dma_semaphore, #tpu.memory_space<semaphore_mem>>) src(%dma_wait3A_67 : memref<1000x128xf32, #tpu.memory_space<vmem_shared>>) dst(%dma_wait3A_65 : memref<1000x128xf32, #tpu.memory_space<hbm>>)
        tpu.yield
      }) : () -> ()
    } else {
    }
    return
  }
}

module attributes {stable_mosaic.version = 14 : i64} {
  func.func @_mm1_body(%arg0: i32, %arg1: memref<2000x128xf32, #tpu.memory_space<vmem>>, %arg2: memref<2000x98xf32, #tpu.memory_space<vmem>>, %arg3: memref<128x128xf32, #tpu.memory_space<vmem>>, %arg4: memref<98x128xf32, #tpu.memory_space<vmem>>, %arg5: memref<128x128xf32, #tpu.memory_space<vmem>>, %arg6: memref<2000x32xf32, #tpu.memory_space<vmem>>, %arg7: memref<2000x128xf32, #tpu.memory_space<vmem>>, %arg8: memref<2000x1xf32, #tpu.memory_space<vmem>>) attributes {dimension_semantics = [#tpu.dimension_semantics<arbitrary>], iteration_bounds = array<i64: 5>, scalar_prefetch = 0 : i64, scratch_operands = 0 : i64, tpu.core_type = #tpu.core_type<tc>, window_params = [{transform_indices = @transform_0, window_bounds = array<i64: 2000, 128>}, {transform_indices = @transform_1, window_bounds = array<i64: 2000, 98>}, {pipeline_mode = #tpu.pipeline_mode<synchronous>, transform_indices = @transform_2, window_bounds = array<i64: 128, 128>}, {pipeline_mode = #tpu.pipeline_mode<synchronous>, transform_indices = @transform_3, window_bounds = array<i64: 98, 128>}, {pipeline_mode = #tpu.pipeline_mode<synchronous>, transform_indices = @transform_4, window_bounds = array<i64: 128, 128>}, {transform_indices = @transform_5, window_bounds = array<i64: 2000, 32>}, {transform_indices = @transform_6, window_bounds = array<i64: 2000, 128>}, {transform_indices = @transform_7, window_bounds = array<i64: 2000, 1>}]} {
    %get3A = arith.constant 0 : index
    %get3A_0 = arith.constant 0 : index
    %get3A_1 = vector.load %arg6[%get3A, %get3A_0] : memref<2000x32xf32, #tpu.memory_space<vmem>>, vector<2000x32xf32>
    %reduce_sum3A = arith.constant dense<0.000000e+00> : vector<2000xf32>
    %reduce_sum3A_2 = vector.multi_reduction <add>, %get3A_1, %reduce_sum3A [1] : vector<2000x32xf32> to vector<2000xf32>
    %broadcast_in_dim3A = vector.shape_cast %reduce_sum3A_2 : vector<2000xf32> to vector<2000x1xf32>
    %add3A = arith.constant 1.000000e+00 : f32
    %add3A_3 = vector.broadcast %add3A : f32 to vector<2000x1xf32>
    %add3A_4 = arith.addf %add3A_3, %broadcast_in_dim3A : vector<2000x1xf32>
    %rsqrt3A = math.rsqrt %add3A_4 : vector<2000x1xf32>
    %swap3A = arith.constant 0 : index
    %swap3A_5 = arith.constant 0 : index
    %swap3A_6 = vector.load %arg8[%swap3A, %swap3A_5] : memref<2000x1xf32, #tpu.memory_space<vmem>>, vector<2000x1xf32>
    tpu.vector_store %arg8[%swap3A, %swap3A_5], %rsqrt3A {strides = array<i32>} : memref<2000x1xf32, #tpu.memory_space<vmem>>, vector<2000x1xf32>,
    %get3A_7 = arith.constant 0 : index
    %get3A_8 = arith.constant 0 : index
    %get3A_9 = vector.load %arg1[%get3A_7, %get3A_8] : memref<2000x128xf32, #tpu.memory_space<vmem>>, vector<2000x128xf32>
    %get3A_10 = arith.constant 0 : index
    %get3A_11 = arith.constant 0 : index
    %get3A_12 = vector.load %arg3[%get3A_10, %get3A_11] : memref<128x128xf32, #tpu.memory_space<vmem>>, vector<128x128xf32>
    %dot_general3A = arith.constant dense<0.000000e+00> : vector<2000x128xf32>
    %dot_general3A_13 = tpu.matmul %get3A_9, %get3A_12, %dot_general3A {dimension_numbers = #tpu.dot_dimension_numbers<[1], [0], [0], [1], [0, 0, 1, 1], [], []>, transpose_lhs_hint = false} : vector<2000x128xf32>, vector<128x128xf32>, vector<2000x128xf32> -> vector<2000x128xf32>
    %get3A_14 = arith.constant 0 : index
    %get3A_15 = arith.constant 0 : index
    %get3A_16 = vector.load %arg2[%get3A_14, %get3A_15] : memref<2000x98xf32, #tpu.memory_space<vmem>>, vector<2000x98xf32>
    %get3A_17 = arith.constant 0 : index
    %get3A_18 = arith.constant 0 : index
    %get3A_19 = vector.load %arg4[%get3A_17, %get3A_18] : memref<98x128xf32, #tpu.memory_space<vmem>>, vector<98x128xf32>
    %dot_general3A_20 = arith.constant dense<0.000000e+00> : vector<2000x128xf32>
    %dot_general3A_21 = tpu.matmul %get3A_16, %get3A_19, %dot_general3A_20 {dimension_numbers = #tpu.dot_dimension_numbers<[1], [0], [0], [1], [0, 0, 1, 1], [], []>, transpose_lhs_hint = false} : vector<2000x98xf32>, vector<98x128xf32>, vector<2000x128xf32> -> vector<2000x128xf32>
    %add3A_22 = arith.addf %dot_general3A_13, %dot_general3A_21 : vector<2000x128xf32>
    %get3A_23 = arith.constant 0 : index
    %get3A_24 = arith.constant 0 : index
    %get3A_25 = vector.load %arg5[%get3A_23, %get3A_24] : memref<128x128xf32, #tpu.memory_space<vmem>>, vector<128x128xf32>
    %dot_general3A_26 = arith.constant dense<0.000000e+00> : vector<2000x128xf32>
    %dot_general3A_27 = tpu.matmul %add3A_22, %get3A_25, %dot_general3A_26 {dimension_numbers = #tpu.dot_dimension_numbers<[1], [0], [0], [1], [0, 0, 1, 1], [], []>, transpose_lhs_hint = false} : vector<2000x128xf32>, vector<128x128xf32>, vector<2000x128xf32> -> vector<2000x128xf32>
    %mul3A = vector.broadcast %rsqrt3A : vector<2000x1xf32> to vector<2000x128xf32>
    %mul3A_28 = arith.mulf %mul3A, %dot_general3A_27 : vector<2000x128xf32>
    %swap3A_29 = arith.constant 0 : index
    %swap3A_30 = arith.constant 0 : index
    %swap3A_31 = vector.load %arg7[%swap3A_29, %swap3A_30] : memref<2000x128xf32, #tpu.memory_space<vmem>>, vector<2000x128xf32>
    tpu.vector_store %arg7[%swap3A_29, %swap3A_30], %mul3A_28 {strides = array<i32>} : memref<2000x128xf32, #tpu.memory_space<vmem>>, vector<2000x128xf32>,
    return
  }
  func.func @transform_0(%arg0: i32) -> (i32, i32) {
    %c0_i32 = arith.constant 0 : i32
    %c0_i32_0 = arith.constant 0 : i32
    return %arg0, %c0_i32 : i32, i32
  }
  func.func @transform_1(%arg0: i32) -> (i32, i32) {
    %c0_i32 = arith.constant 0 : i32
    %c0_i32_0 = arith.constant 0 : i32
    return %arg0, %c0_i32 : i32, i32
  }
  func.func @transform_2(%arg0: i32) -> (i32, i32) {
    %c0_i32 = arith.constant 0 : i32
    %c0_i32_0 = arith.constant 0 : i32
    %c0_i32_1 = arith.constant 0 : i32
    return %c0_i32, %c0_i32_0 : i32, i32
  }
  func.func @transform_3(%arg0: i32) -> (i32, i32) {
    %c0_i32 = arith.constant 0 : i32
    %c0_i32_0 = arith.constant 0 : i32
    %c0_i32_1 = arith.constant 0 : i32
    return %c0_i32, %c0_i32_0 : i32, i32
  }
  func.func @transform_4(%arg0: i32) -> (i32, i32) {
    %c0_i32 = arith.constant 0 : i32
    %c0_i32_0 = arith.constant 0 : i32
    %c0_i32_1 = arith.constant 0 : i32
    return %c0_i32, %c0_i32_0 : i32, i32
  }
  func.func @transform_5(%arg0: i32) -> (i32, i32) {
    %c0_i32 = arith.constant 0 : i32
    %c0_i32_0 = arith.constant 0 : i32
    return %arg0, %c0_i32 : i32, i32
  }
  func.func @transform_6(%arg0: i32) -> (i32, i32) {
    %c0_i32 = arith.constant 0 : i32
    %c0_i32_0 = arith.constant 0 : i32
    return %arg0, %c0_i32 : i32, i32
  }
  func.func @transform_7(%arg0: i32) -> (i32, i32) {
    %c0_i32 = arith.constant 0 : i32
    %c0_i32_0 = arith.constant 0 : i32
    return %arg0, %c0_i32 : i32, i32
  }
}

module attributes {stable_mosaic.version = 14 : i64} {
  func.func @_mid_body(%arg0: i32, %arg1: memref<2x2000x128xf32, #tpu.memory_space<vmem>>, %arg2: memref<2000x128xf32, #tpu.memory_space<vmem>>, %arg3: memref<2000x1xf32, #tpu.memory_space<vmem>>, %arg4: memref<128x128xf32, #tpu.memory_space<vmem>>, %arg5: memref<2000x128xf32, #tpu.memory_space<vmem>>) attributes {dimension_semantics = [#tpu.dimension_semantics<arbitrary>], iteration_bounds = array<i64: 5>, scalar_prefetch = 0 : i64, scratch_operands = 0 : i64, tpu.core_type = #tpu.core_type<tc>, window_params = [{transform_indices = @transform_0, window_bounds = array<i64: 2, 2000, 128>}, {transform_indices = @transform_1, window_bounds = array<i64: 2000, 128>}, {transform_indices = @transform_2, window_bounds = array<i64: 2000, 1>}, {pipeline_mode = #tpu.pipeline_mode<synchronous>, transform_indices = @transform_3, window_bounds = array<i64: 128, 128>}, {transform_indices = @transform_4, window_bounds = array<i64: 2000, 128>}]} {
    %get3A = arith.constant 0 : index
    %get3A_0 = arith.constant 0 : index
    %get3A_1 = vector.load %arg3[%get3A, %get3A_0] : memref<2000x1xf32, #tpu.memory_space<vmem>>, vector<2000x1xf32>
    %get3A_2 = arith.constant 0 : index
    %get3A_3 = arith.constant 0 : index
    %get3A_4 = arith.constant 0 : index
    %get3A_5 = vector.load %arg1[%get3A_2, %get3A_3, %get3A_4] : memref<2x2000x128xf32, #tpu.memory_space<vmem>>, vector<1x2000x128xf32>
    %get3A_6 = vector.shape_cast %get3A_5 : vector<1x2000x128xf32> to vector<2000x128xf32>
    %get3A_7 = arith.constant 1 : index
    %get3A_8 = arith.constant 0 : index
    %get3A_9 = arith.constant 0 : index
    %get3A_10 = vector.load %arg1[%get3A_7, %get3A_8, %get3A_9] : memref<2x2000x128xf32, #tpu.memory_space<vmem>>, vector<1x2000x128xf32>
    %get3A_11 = vector.shape_cast %get3A_10 : vector<1x2000x128xf32> to vector<2000x128xf32>
    %add3A = arith.addf %get3A_6, %get3A_11 : vector<2000x128xf32>
    %get3A_12 = arith.constant 0 : index
    %get3A_13 = arith.constant 0 : index
    %get3A_14 = vector.load %arg2[%get3A_12, %get3A_13] : memref<2000x128xf32, #tpu.memory_space<vmem>>, vector<2000x128xf32>
    %add3A_15 = arith.addf %add3A, %get3A_14 : vector<2000x128xf32>
    %mul3A = vector.broadcast %get3A_1 : vector<2000x1xf32> to vector<2000x128xf32>
    %mul3A_16 = arith.mulf %mul3A, %add3A_15 : vector<2000x128xf32>
    %max3A = arith.constant 0.000000e+00 : f32
    %max3A_17 = vector.broadcast %max3A : f32 to vector<2000x128xf32>
    %max3A_18 = arith.maximumf %mul3A_16, %max3A_17 : vector<2000x128xf32>
    %get3A_19 = arith.constant 0 : index
    %get3A_20 = arith.constant 0 : index
    %get3A_21 = vector.load %arg4[%get3A_19, %get3A_20] : memref<128x128xf32, #tpu.memory_space<vmem>>, vector<128x128xf32>
    %dot_general3A = arith.constant dense<0.000000e+00> : vector<2000x128xf32>
    %dot_general3A_22 = tpu.matmul %max3A_18, %get3A_21, %dot_general3A {dimension_numbers = #tpu.dot_dimension_numbers<[1], [0], [0], [1], [0, 0, 1, 1], [], []>, transpose_lhs_hint = false} : vector<2000x128xf32>, vector<128x128xf32>, vector<2000x128xf32> -> vector<2000x128xf32>
    %mul3A_23 = vector.broadcast %get3A_1 : vector<2000x1xf32> to vector<2000x128xf32>
    %mul3A_24 = arith.mulf %mul3A_23, %dot_general3A_22 : vector<2000x128xf32>
    %swap3A = arith.constant 0 : index
    %swap3A_25 = arith.constant 0 : index
    %swap3A_26 = vector.load %arg5[%swap3A, %swap3A_25] : memref<2000x128xf32, #tpu.memory_space<vmem>>, vector<2000x128xf32>
    tpu.vector_store %arg5[%swap3A, %swap3A_25], %mul3A_24 {strides = array<i32>} : memref<2000x128xf32, #tpu.memory_space<vmem>>, vector<2000x128xf32>,
    return
  }
  func.func @transform_0(%arg0: i32) -> (i32, i32, i32) {
    %c0_i32 = arith.constant 0 : i32
    %c0_i32_0 = arith.constant 0 : i32
    %c0_i32_1 = arith.constant 0 : i32
    return %c0_i32, %arg0, %c0_i32_0 : i32, i32, i32
  }
  func.func @transform_1(%arg0: i32) -> (i32, i32) {
    %c0_i32 = arith.constant 0 : i32
    %c0_i32_0 = arith.constant 0 : i32
    return %arg0, %c0_i32 : i32, i32
  }
  func.func @transform_2(%arg0: i32) -> (i32, i32) {
    %c0_i32 = arith.constant 0 : i32
    %c0_i32_0 = arith.constant 0 : i32
    return %arg0, %c0_i32 : i32, i32
  }
  func.func @transform_3(%arg0: i32) -> (i32, i32) {
    %c0_i32 = arith.constant 0 : i32
    %c0_i32_0 = arith.constant 0 : i32
    %c0_i32_1 = arith.constant 0 : i32
    return %c0_i32, %c0_i32_0 : i32, i32
  }
  func.func @transform_4(%arg0: i32) -> (i32, i32) {
    %c0_i32 = arith.constant 0 : i32
    %c0_i32_0 = arith.constant 0 : i32
    return %arg0, %c0_i32 : i32, i32
  }
}

module attributes {stable_mosaic.version = 14 : i64} {
  func.func @_final_body(%arg0: i32, %arg1: memref<2x2000x128xf32, #tpu.memory_space<vmem>>, %arg2: memref<2000x128xf32, #tpu.memory_space<vmem>>, %arg3: memref<2000x1xf32, #tpu.memory_space<vmem>>, %arg4: memref<2000x128xf32, #tpu.memory_space<vmem>>) attributes {dimension_semantics = [#tpu.dimension_semantics<arbitrary>], iteration_bounds = array<i64: 5>, scalar_prefetch = 0 : i64, scratch_operands = 0 : i64, tpu.core_type = #tpu.core_type<tc>, window_params = [{transform_indices = @transform_0, window_bounds = array<i64: 2, 2000, 128>}, {transform_indices = @transform_1, window_bounds = array<i64: 2000, 128>}, {transform_indices = @transform_2, window_bounds = array<i64: 2000, 1>}, {transform_indices = @transform_3, window_bounds = array<i64: 2000, 128>}]} {
    %get3A = arith.constant 0 : index
    %get3A_0 = arith.constant 0 : index
    %get3A_1 = vector.load %arg3[%get3A, %get3A_0] : memref<2000x1xf32, #tpu.memory_space<vmem>>, vector<2000x1xf32>
    %get3A_2 = arith.constant 0 : index
    %get3A_3 = arith.constant 0 : index
    %get3A_4 = arith.constant 0 : index
    %get3A_5 = vector.load %arg1[%get3A_2, %get3A_3, %get3A_4] : memref<2x2000x128xf32, #tpu.memory_space<vmem>>, vector<1x2000x128xf32>
    %get3A_6 = vector.shape_cast %get3A_5 : vector<1x2000x128xf32> to vector<2000x128xf32>
    %get3A_7 = arith.constant 1 : index
    %get3A_8 = arith.constant 0 : index
    %get3A_9 = arith.constant 0 : index
    %get3A_10 = vector.load %arg1[%get3A_7, %get3A_8, %get3A_9] : memref<2x2000x128xf32, #tpu.memory_space<vmem>>, vector<1x2000x128xf32>
    %get3A_11 = vector.shape_cast %get3A_10 : vector<1x2000x128xf32> to vector<2000x128xf32>
    %add3A = arith.addf %get3A_6, %get3A_11 : vector<2000x128xf32>
    %get3A_12 = arith.constant 0 : index
    %get3A_13 = arith.constant 0 : index
    %get3A_14 = vector.load %arg2[%get3A_12, %get3A_13] : memref<2000x128xf32, #tpu.memory_space<vmem>>, vector<2000x128xf32>
    %add3A_15 = arith.addf %add3A, %get3A_14 : vector<2000x128xf32>
    %mul3A = vector.broadcast %get3A_1 : vector<2000x1xf32> to vector<2000x128xf32>
    %mul3A_16 = arith.mulf %mul3A, %add3A_15 : vector<2000x128xf32>
    %max3A = arith.constant 0.000000e+00 : f32
    %max3A_17 = vector.broadcast %max3A : f32 to vector<2000x128xf32>
    %max3A_18 = arith.maximumf %mul3A_16, %max3A_17 : vector<2000x128xf32>
    %swap3A = arith.constant 0 : index
    %swap3A_19 = arith.constant 0 : index
    %swap3A_20 = vector.load %arg4[%swap3A, %swap3A_19] : memref<2000x128xf32, #tpu.memory_space<vmem>>, vector<2000x128xf32>
    tpu.vector_store %arg4[%swap3A, %swap3A_19], %max3A_18 {strides = array<i32>} : memref<2000x128xf32, #tpu.memory_space<vmem>>, vector<2000x128xf32>,
    return
  }
  func.func @transform_0(%arg0: i32) -> (i32, i32, i32) {
    %c0_i32 = arith.constant 0 : i32
    %c0_i32_0 = arith.constant 0 : i32
    %c0_i32_1 = arith.constant 0 : i32
    return %c0_i32, %arg0, %c0_i32_0 : i32, i32, i32
  }
  func.func @transform_1(%arg0: i32) -> (i32, i32) {
    %c0_i32 = arith.constant 0 : i32
    %c0_i32_0 = arith.constant 0 : i32
    return %arg0, %c0_i32 : i32, i32
  }
  func.func @transform_2(%arg0: i32) -> (i32, i32) {
    %c0_i32 = arith.constant 0 : i32
    %c0_i32_0 = arith.constant 0 : i32
    return %arg0, %c0_i32 : i32, i32
  }
  func.func @transform_3(%arg0: i32) -> (i32, i32) {
    %c0_i32 = arith.constant 0 : i32
    %c0_i32_0 = arith.constant 0 : i32
    return %arg0, %c0_i32 : i32, i32
  }
}

</mosaic_0001>

<sc_bundles>
// kernel: kernel.11.cloned.1.call-start
scs
__scs_entry_jumppad:
0x0: {  	(pc) =	sbr.rel $0x88, $3  }
0x1: {  	(tag) =	ssettag $0x0;
	lr =	simm.s32 $0x1  }
0x2: {  	[smem:$0x3F9B] =	sst lr;
	_ =	strace $0xD0000000  }
0x3: {  	_ = 	snop  }
0x4: {  	_ = 	snop  }
0x5: {  	_ = 	snop  }
0x6: {  	_ = 	snop  }
0x7: {  	_ = 	snop  }
__scs_overlays_trampoline_lowered:
0x8: {  	[smem:$0x3FAA] =	sst s0  }
0x9: {  	[smem:$0x3FAB] =	sst s1  }
0xa: {  	[smem:$0x3FAC] =	sst s2  }
0xb: {  	[smem:$0x3FAD] =	sst s3  }
0xc: {  	[smem:$0x3FAE] =	sst s4  }
0xd: {  	[smem:$0x3FAF] =	sst s5  }
0xe: {  	[smem:$0x3FB0] =	sst s6  }
0xf: {  	[smem:$0x3FB1] =	sst s7  }
0x10: {  	[smem:$0x3FB2] =	sst s8  }
0x11: {  	[smem:$0x3FB3] =	sst s9;
	s0 =	simm.s32 @!p0 $0x0  }
0x12: {  	s1 =	sld [smem:$0x3F99];
	s0 =	simm.s32 @p0 $0x1  }
0x13: {  	[smem:$0x3FB4] =	sst s0;
	s0 =	simm.s32 @!p1 $0x0  }
0x14: {  	s2 =	sld [smem:$0x3F98];
	s0 =	simm.s32 @p1 $0x1  }
0x15: {  	[smem:$0x3FB5] =	sst s0;
	s0 =	simm.s32 @!p2 $0x0  }
0x16: {  	s3 =	sld [smem:$0x3FDB];
	s0 =	simm.s32 @p2 $0x1  }
0x17: {  	s4 =	simm.s32 $0x1BF5;
	[smem:$0x3FB7] =	sst s0  }
0x18: {  	s0 =	sld [smem:$0x3F9A];
	_ =	swait.ge [sflag:s4], $0x0  }
0x19: {  	s7 =	sld [smem:$0x3F9B]  }
0x1a: {  	s8 =	sadd.s32 $0xFFFFE003, lr  }
0x1b: {  	s9 =	sadd.s32 $0xFFFFFEF7, lr;
	s5 =	simm.s32 $0xFFFFFFFF;
	p2 =	slt.u32 s8, $0xFFFFF086  }
0x1c: {  	p1 =	slt.u32 s9, $0xF7A;
	s5 =	simm.s32 @!p2 $0x0  }
0x1d: {  	s5 =	simm.s32 @p1 $0x1;
	p0 =	seq.s32 s7, s2  }
0x1e: {  	s7 =	smul.u32 @!p0 $0xF7A, s2;
	p2 =	seq.s32 @!p0 s5, $0x0  }
0x1f: {  	s9 =	smul.u32 $0xF7A, s1;
	s8 =	simm.s32 @!p0 $0x1BF5;
	p2 =	por !p2, p0  }
0x20: {  	[sflag:s8] =	ssyncset.s32 @!p0 $0xFFFFF086;
	s6 =	sadd.s32 @!p0 s3, s7;
	s7 =	simm.s32 @!p0 $0x108  }
0x21: {  	s3 =	sadd.s32 s3, s9;
	s6 =	sadd.s32 @!p0 $0x88, s6;
	s7 =	simm.s32 @p2 $0x1082  }
0x22: {  	[simem:s7], [sflag:s8] =	dma.local @!p0 [hbm:s6], $0xF7A  }
0x23: {  	s9 =	sor.u32 $0xD0000000, s2;
	s6 =	simm.s32 $0x108;
	_ =	swait.ge @!p0 [sflag:s8], $0x0  }
0x24: {  	s3 =	sadd.s32 $0x88, s3;
	s6 =	simm.s32 @!p1 $0x1082;
	[sflag:s4] =	ssyncset.s32 $0xFFFFF086  }
0x25: {  	[simem:s6], [sflag:s4] =	dma.local [hbm:s3], $0xF7A  }
0x26: {  	[smem:$0x3F9B] =	sst s1;
	(tag) =	ssettag s2;
	_ =	strace s9  }
0x27: {  	s1 =	sld [smem:$0x3FAB]  }
0x28: {  	s2 =	sld [smem:$0x3FAC]  }
0x29: {  	s4 =	sld [smem:$0x3FAE]  }
0x2a: {  	p0 =	seq.s32 s5, $0x0;
	s5 =	sld [smem:$0x3FAF]  }
0x2b: {  	s6 =	sld [smem:$0x3FB0]  }
0x2c: {  	s7 =	sld [smem:$0x3FB1]  }
0x2d: {  	s3 =	simm.s32 $0x108;
	s8 =	sld [smem:$0x3FB2]  }
0x2e: {  	s3 =	simm.s32 @!p0 $0x1082;
	s9 =	sld [smem:$0x3FB3]  }
0x2f: {  	lr =	sadd.s32 s0, s3;
	s0 =	sld [smem:$0x3FAA]  }
0x30: {  	s3 =	sld [smem:$0x3FAD]  }
0x31: {  	[smem:$0x3FB6] =	sst s10  }
0x32: {  	s10 =	sld [smem:$0x3FB4];
	_ =	sdelay $0x3  }
0x33: {  	p0 =	seq.s32 s10, $0x1;
	s10 =	sld [smem:$0x3FB6];
	_ =	sdelay $0x3  }
0x34: {  	[smem:$0x3FB6] =	sst s10  }
0x35: {  	s10 =	sld [smem:$0x3FB5];
	_ =	sdelay $0x3  }
0x36: {  	p1 =	seq.s32 s10, $0x1;
	s10 =	sld [smem:$0x3FB6];
	_ =	sdelay $0x3  }
0x37: {  	[smem:$0x3FB6] =	sst s10  }
0x38: {  	s10 =	sld [smem:$0x3FB7]  }
0x39: {  	_ = 	snop;
	(pc) =	sbr.ind lr, $3  }
0x3a: {  	_ = 	snop  }
0x3b: {  	_ = 	snop  }
0x3c: {  	p2 =	seq.s32 s10, $0x1;
	s10 =	sld [smem:$0x3FB6]  }
0x3d: {  	_ =	shalt  }
0x3e: {  	_ =	shalt  }
0x3f: {  	_ =	shalt  }
0x40: {  	_ =	shalt  }
0x41: {  	_ =	shalt  }
0x42: {  	_ =	shalt  }
0x43: {  	_ =	shalt  }
0x44: {  	_ =	shalt  }
0x45: {  	_ =	shalt  }
0x46: {  	_ =	shalt  }
0x47: {  	_ =	shalt  }
0x48: {  	_ =	shalt  }
0x49: {  	_ =	shalt  }
0x4a: {  	_ =	shalt  }
0x4b: {  	_ =	shalt  }
0x4c: {  	_ =	shalt  }
0x4d: {  	_ =	shalt  }
0x4e: {  	_ =	shalt  }
0x4f: {  	_ =	shalt  }
0x50: {  	_ =	shalt  }
0x51: {  	_ =	shalt  }
0x52: {  	_ =	shalt  }
0x53: {  	_ =	shalt  }
0x54: {  	_ =	shalt  }
0x55: {  	_ =	shalt  }
0x56: {  	_ =	shalt  }
0x57: {  	_ =	shalt  }
0x58: {  	_ =	shalt  }
0x59: {  	_ =	shalt  }
0x5a: {  	_ =	shalt  }
0x5b: {  	_ =	shalt  }
0x5c: {  	_ =	shalt  }
0x5d: {  	_ =	shalt  }
0x5e: {  	_ =	shalt  }
0x5f: {  	_ =	shalt  }
0x60: {  	_ =	shalt  }
0x61: {  	_ =	shalt  }
0x62: {  	_ =	shalt  }
0x63: {  	_ =	shalt  }
0x64: {  	_ =	shalt  }
0x65: {  	_ =	shalt  }
0x66: {  	_ =	shalt  }
0x67: {  	_ =	shalt  }
0x68: {  	_ =	shalt  }
0x69: {  	_ =	shalt  }
0x6a: {  	_ =	shalt  }
0x6b: {  	_ =	shalt  }
0x6c: {  	_ =	shalt  }
0x6d: {  	_ =	shalt  }
0x6e: {  	_ =	shalt  }
0x6f: {  	_ =	shalt  }
0x70: {  	_ =	shalt  }
0x71: {  	_ =	shalt  }
0x72: {  	_ =	shalt  }
0x73: {  	_ =	shalt  }
0x74: {  	_ =	shalt  }
0x75: {  	_ =	shalt  }
0x76: {  	_ =	shalt  }
0x77: {  	_ =	shalt  }
0x78: {  	_ =	shalt  }
0x79: {  	_ =	shalt  }
0x7a: {  	_ =	shalt  }
0x7b: {  	_ =	shalt  }
0x7c: {  	_ =	shalt  }
0x7d: {  	_ =	shalt  }
0x7e: {  	_ =	shalt  }
0x7f: {  	_ =	shalt  }
0x80: {  	_ =	shalt  }
0x81: {  	_ =	shalt  }
0x82: {  	_ =	shalt  }
0x83: {  	_ =	shalt  }
0x84: {  	_ =	shalt  }
0x85: {  	_ =	shalt  }
0x86: {  	_ =	shalt  }
0x87: {  	_ =	shalt  }
.Lfunc_end0:
.L_simem_size_0:
called_computation.1_lowered:
.L_overlay_start_0:
0x88: {  	s2 =	sld [smem:$0x3FD9]  }
0x89: {  	s3 =	sld [smem:$0x3FFE];
	_ =	sdelay $0x1  }
0x8a: {  	s1 =	srdreg.scid  }
0x8b: {  	s0 =	sand.u32 $0x1, s1  }
0x8c: {  	s17 =	sshll.u32 s0, $0xA;
	s2 =	sadd.s32 s3, s2  }
0x8d: {  	s2 =	sadd.s32 s2, s17  }
0x8e: {  	[smem:$0x3FC2] =	sst s2  }
0x8f: {  	_ = 	snop  }
0x90: {  	s2 =	sld [smem:$0x3FD0];
	(tm) =	ssettm $0x1  }
0x91: {  	s18 =	sld [smem:$0x3FFB];
	_ =	sdelay $0x3  }
0x92: {  	_ =	strace s18  }
0x93: {  	s3 =	sld [smem:$0x3FFC];
	_ =	sdelay $0x3  }
0x94: {  	_ =	strace s3  }
0x95: {  	s3 =	sld [smem:$0x3FFD];
	_ =	sdelay $0x3  }
0x96: {  	_ =	strace s3  }
0x97: {  	_ =	strace $0x8FFFFFFF  }
0x98: {  	s19 =	sld [smem:$0x3FDB];
	_ =	sdelay $0x1  }
0x99: {  	s4 =	simm.s32 $_scs_section_size  }
0x9a: {  	s5 =	simm.s32 $_size__tile_overlayer_lowered;
	s6 =	simm.s32 $_tile_overlayer_lowered  }
0x9b: {  	s22 =	simm.s32 $0x1BFF;
	s21 =	sshll.u32 s6, $0x1;
	s3 =	sadd.s32 s4, s19  }
0x9c: {  	s7 =	simm.s32 $0x0;
	s20 =	sshll.u32 s5, $0x1;
	s5 =	sadd.s32 s21, s3  }
0x9d: {  	[timem:s7], [sflag:s22] =	dma.local [hbm:s5], s20  }
0x9e: {  	_ =	swait.ge [sflag:s22], s20  }
0x9f: {  	s4 =	ssub.s32 $0x0, s20;
	[sflag:s22] =	ssyncset.done $0x0  }
0xa0: {  	[sflag:s22] =	ssyncadd.s32 s4;
	_ =	sdelay $0x1  }
0xa1: {  	s23 =	simm.s32 $0x1B8B  }
0xa2: {  	_ =	swait.ge [sflag:s23], $0x1  }
0xa3: {  	[sflag:s23] =	ssyncset.done $0x0  }
0xa4: {  	s25 =	simm.s32 $0x1B8E;
	s24 =	sld [smem:$0x3FFE];
	[sflag:s23] =	ssyncadd.s32 $0xFFFFFFFF  }
0xa5: {  	s26 =	simm.s32 $execute0_lowered;
	[smem:$0x3FD2] =	sst s25  }
0xa6: {  	s5 =	sshll.u32 s26, $0x1;
	_ =	strace $0x80000049;
	[dreg:$0x1] =	wrdreg $0xFFFFFFFF  }
0xa7: {  	s28 =	simm.s32 $_size_execute0_lowered;
	s3 =	sadd.s32 s3, s5;
	[dreg:$0x0] =	wrdreg $0x0  }
0xa8: {  	s5 =	sshll.u32 s28, $0x1;
	[dreg:$0x2] =	wrdreg s3  }
0xa9: {  	[dreg:$0x3] =	wrdreg s5  }
0xaa: {  	[dreg:$0x4] =	wrdreg $0xC0  }
0xab: {  	_ =	task [dreg:s7], $0x5FFFF  }
0xac: {  	[dreg:$0x1] =	wrdreg $0xFFFFFFFF  }
0xad: {  	[dreg:$0x0] =	wrdreg $0x60  }
0xae: {  	[dreg:$0x2] =	wrdreg s2  }
0xaf: {  	[dreg:$0x3] =	wrdreg s24  }
0xb0: {  	[dreg:$0x4] =	wrdreg $0xA8000  }
0xb1: {  	[dreg:$0x5] =	wrdreg $0x9  }
0xb2: {  	_ =	task.clear_ibuf [dreg:s7], $0x6FFFF;
	_ =	strace $0x90000049  }
0xb3: {  	s29 =	simm.s32 $0x9;
	_ =	strace $0x8000004B  }
0xb4: {  	_ =	swait.ge [sflag:s29], $0x1  }
0xb5: {  	[sflag:s29] =	ssyncadd.s32 $0xFFFFFFFF  }
0xb6: {  	_ =	strace $0x9000004B  }
0xb7: {  	_ =	sfence  }
0xb8: {  	s30 =	sld [smem:$0x0];
	_ =	sdelay $0x2  }
0xb9: {  	s31 =	sshll.u32 s1, $0xD;
	s1 =	sshrl.u32 s1, $0x2  }
0xba: {  	s3 =	sand.u32 $0x4000, s31;
	s1 =	sadd.s32 s1, s30  }
0xbb: {  	s0 =	sor.u32 s3, s0;
	s1 =	sshll.u32 s1, $0x11  }
0xbc: {  	s0 =	sor.u32 s1, s0  }
0xbd: {  	s0 =	sadd.s32 $0x8F2B, s0  }
0xbe: {  	[sflag:s0] =	ssyncadd.remote.s32 $0x1  }
0xbf: {  	_ =	sfence.sel $0xFFFF  }
0xc0: {  	[dreg:$0x0] =	wrdreg $0xFFFFFFFF;
	(pc) =	sbr.abs _section_cstart, $3  }
0xc1: {  	[dreg:$0x1] =	wrdreg $0xFFFFFFFF  }
0xc2: {  	_ =	task.clear_ibuf [dreg:s7], $0x2FFFF;
	_ =	strace $0x9FFFFFFF  }
0xc3: {  	(tm) =	ssettm $0x7FFFFFFF  }
tec
execute0_lowered:
.L_overlay_start_1:
0x0: {  	(tag) =	ssettag $0x1  }
0x1: {  	s1 =	rddreg [dreg:$0x0]  }
0x2: {  	s5 =	rddreg [dreg:$0x1]  }
0x3: {  	s2 =	rddreg [dreg:$0x2]  }
0x4: {  	s0 =	rddreg [dreg:$0x3];
	s4 =	simm.s32 $0x0;
	s3 =	stileid.u32  }
0x5: {  	s6 =	srdreg.scid;
	s15 =	simm.s32 $0x7D;
	s16 =	simm.s32 $0x2800  }
0x6: {  	s17 =	simm.s32 $0x6800;
	s18 =	simm.s32 $0x1;
	s19 =	simm.s32 $0x2  }
0x7: {  	s20 =	simm.s32 $0x1380;
	s21 =	simm.s32 $0x2700;
	s22 =	simm.s32 $0x2780  }
0x8: {  	[smem:$0x7FF] =	sst s4;
	s8 =	sadd.s32 $0x65400, s5;
	s23 =	smul.u32 $0x3E80, s3  }
0x9: {  	s6 =	sand.u32 $0x1, s6;
	s9 =	sadd.s32 $0x5B400, s5;
	s12 =	smul.u32 $0x7D000, s3  }
0xa: {  	p0 =	sgt.u32 s3, $0x9;
	_ =	strace $0x8000004A;
	s10 =	sshll.u32 s6, $0x4  }
0xb: {  	s7 =	smul.u32 $0x27100, s6;
	s26 =	ssub.s32 $0x2, s6;
	s10 =	sor.u32 s3, s10  }
0xc: {  	s11 =	sadd.s32 s23, s5;
	s29 =	sshrl.u32 s26, $0x1;
	s28 =	smul.u32 $0x2800, s10  }
0xd: {  	s12 =	sshrl.u32 s12, $0x2;
	s13 =	sadd.s32 s7, s5;
	s10 =	smul.u32 $0x500, s10  }
0xe: {  	s14 =	ssub.s32 s26, s29;
	s5 =	sadd.s32 $0x2600, s11;
	s11 =	sshll.u32 @!p0 s3, $0x6  }
0xf: {  	s12 =	sadd.s32 s12, s2;
	s24 =	sadd.s32 $0x6F400, s13;
	s11 =	sor.u32 @!p0 $0x1C03, s11  }
0x10: {  	s12 =	sshrl.u32 @!p0 s12, $0x3;
	s13 =	simm.s32 $0x3;
	s30 =	sshrl.u32 s28, $0x3  }
0x11: {  	s6 =	sadd.s32 s8, s10;
	s7 =	sadd.s32 s9, s10;
	s10 =	smax.u32 s14, $0x1  }
0x12: {  	s14 =	simm.s32 $0x1400;
	s23 =	sadd.s32 @!p0 s23, s24;
	s31 =	sadd.s32 $0x280, s30  }
0x13: {  	s24 =	simm.s32 $0x0;
	s8 =	sadd.s32 s8, s31;
	s9 =	sadd.s32 s9, s31  }
.LBB2_1:
0x14: {  	[spmem:s12], [sflag:s11] =	dma.local @!p0 [hbm:s5], $0x3E80  }
0x15: {  	s25 =	simm.s32 @!p0 $0x3  }
0x16: {  	_ =	swait.ge @!p0 [sflag:s25], $0x3E80  }
0x17: {  	[sflag:s25] =	ssyncset.done @!p0 $0x0  }
0x18: {  	[sflag:s25] =	ssyncadd.s32 @!p0 $0xFFFFC180  }
0x19: {  	[bflag:$0x0] =	sbarrier.arrive $0xFFFF  }
0x1a: {  	[tilespmem:s4], [sflag:$0x3] =	stream.linear.gather [hbm4b:s6+s4], $0x1400, $0x38;
	[tilespmem:$0x1E080] =	vst v63  }
0x1b: {  	_ =	swait.ge [sflag:s13], $0x1400  }
0x1c: {  	[sflag:s13] =	ssyncset.done $0x0  }
0x1d: {  	[sflag:s13] =	ssyncadd.s32 $0xFFFFEC00  }
0x1e: {  	[tilespmem:s14], [sflag:$0x3] =	stream.linear.gather [hbm4b:s7+s4], $0x1400, $0x38;
	[tilespmem:$0x1E080] =	vst v63  }
0x1f: {  	_ =	swait.ge [sflag:s13], $0x1400  }
0x20: {  	[sflag:s13] =	ssyncset.done $0x0  }
0x21: {  	[sflag:s13] =	ssyncadd.s32 $0xFFFFEC00  }
0x22: {  	[tilespmem:s16], [sflag:$0x1] =	stream.indirect.gather [hbm4b:s1+s15], $0x80, s4, s15, $0xb8;
	[tilespmem:$0x1E080] =	vst v63  }
0x23: {  	s28 =	simm.s32 $0x80  }
0x24: {  	[tilespmem:s17], [sflag:$0x2] =	stream.indirect.gather [hbm4b:s1+s15], $0x80, s28, s15, $0xb8;
	[tilespmem:$0x1E080] =	vst v63  }
0x25: {  	_ =	swait.ge [sflag:s18], $0x3E80  }
0x26: {  	[sflag:s18] =	ssyncset.done $0x0  }
0x27: {  	s29 =	simm.s32 $0x1400;
	[sflag:s18] =	ssyncadd.s32 $0xFFFFC180  }
0x28: {  	[spmem:s2] =	stream.indirect.scatter.add.f32 [tilespmem:s16], [sflag:$0x3], $0x80, s29, s15, $0xb8;
	[tilespmem:$0x1E080] =	vst v63  }
0x29: {  	_ =	swait.ge [sflag:s13], $0x3E80  }
0x2a: {  	[sflag:s13] =	ssyncset.done $0x0  }
0x2b: {  	s30 =	simm.s32 $0x100;
	[sflag:s13] =	ssyncadd.s32 $0xFFFFC180  }
0x2c: {  	[tilespmem:s16], [sflag:$0x1] =	stream.indirect.gather [hbm4b:s1+s15], $0x80, s30, s15, $0xb8;
	[tilespmem:$0x1E080] =	vst v63  }
0x2d: {  	_ =	swait.ge [sflag:s19], $0x3E80  }
0x2e: {  	[sflag:s19] =	ssyncset.done $0x0  }
0x2f: {  	s31 =	simm.s32 $0x1480;
	[sflag:s19] =	ssyncadd.s32 $0xFFFFC180  }
0x30: {  	[spmem:s2] =	stream.indirect.scatter.add.f32 [tilespmem:s17], [sflag:$0x3], $0x80, s31, s15, $0xb8;
	[tilespmem:$0x1E080] =	vst v63  }
0x31: {  	_ =	swait.ge [sflag:s13], $0x3E80  }
0x32: {  	s26 =	simm.s32 $0x800;
	s25 =	simm.s32 $0x100;
	[sflag:s13] =	ssyncset.done $0x0  }
.LBB2_2:
0x33: {  	s28 =	sadd.s32 $0x80, s25  }
0x34: {  	[sflag:s13] =	ssyncadd.s32 $0xFFFFC180;
	s29 =	smov.u32 s26;
	s30 =	sadd.s32 $0x400, s26  }
0x35: {  	[tilespmem:s17], [sflag:$0x2] =	stream.indirect.gather [hbm4b:s1+s15], $0x80, s28, s15, $0xb8;
	[tilespmem:$0x1E080] =	vst v63  }
0x36: {  	p1 =	sne.s32 s26, $0x4800;
	_ =	swait.ge [sflag:s18], $0x3E80  }
0x37: {  	[sflag:s18] =	ssyncset.done $0x0  }
0x38: {  	s26 =	sadd.s32 $0x1400, s25;
	[sflag:s18] =	ssyncadd.s32 $0xFFFFC180  }
0x39: {  	[spmem:s2] =	stream.indirect.scatter.add.f32 [tilespmem:s16], [sflag:$0x3], $0x80, s26, s15, $0xb8;
	[tilespmem:$0x1E080] =	vst v63  }
0x3a: {  	_ =	swait.ge [sflag:s13], $0x3E80  }
0x3b: {  	[sflag:s13] =	ssyncset.done $0x0  }
0x3c: {  	s26 =	sadd.s32 $0x100, s25;
	[sflag:s13] =	ssyncadd.s32 $0xFFFFC180  }
0x3d: {  	[tilespmem:s16], [sflag:$0x1] =	stream.indirect.gather [hbm4b:s1+s15], $0x80, s26, s15, $0xb8;
	[tilespmem:$0x1E080] =	vst v63  }
0x3e: {  	_ =	swait.ge [sflag:s19], $0x3E80  }
.Ltmp0:
0x3f: {  	[sflag:s19] =	ssyncset.done $0x0;
	(pc) =	sbr.rel @p1 .LBB2_2-.Ltmp0, $4  }
0x40: {  	s25 =	sadd.s32 $0x1480, s25;
	[sflag:s19] =	ssyncadd.s32 $0xFFFFC180  }
0x41: {  	[spmem:s2] =	stream.indirect.scatter.add.f32 [tilespmem:s17], [sflag:$0x3], $0x80, s25, s15, $0xb8;
	[tilespmem:$0x1E080] =	vst v63  }
0x42: {  	_ =	swait.ge [sflag:s13], $0x3E80  }
0x43: {  	s26 =	smov.u32 s30;
	s25 =	sshra.s32 s29, $0x2;
	[sflag:s13] =	ssyncset.done $0x0  }
0x44: {  	s26 =	sadd.s32 $0x80, s25;
	[sflag:s13] =	ssyncadd.s32 $0xFFFFC180  }
0x45: {  	[tilespmem:s17], [sflag:$0x2] =	stream.indirect.gather [hbm4b:s1+s15], $0x80, s26, s15, $0xb8;
	[tilespmem:$0x1E080] =	vst v63  }
0x46: {  	_ =	swait.ge [sflag:s18], $0x3E80  }
0x47: {  	[sflag:s18] =	ssyncset.done $0x0  }
0x48: {  	s29 =	sadd.s32 $0x1400, s25;
	[sflag:s18] =	ssyncadd.s32 $0xFFFFC180  }
0x49: {  	[spmem:s2] =	stream.indirect.scatter.add.f32 [tilespmem:s16], [sflag:$0x3], $0x80, s29, s15, $0xb8;
	[tilespmem:$0x1E080] =	vst v63  }
0x4a: {  	_ =	swait.ge [sflag:s13], $0x3E80  }
0x4b: {  	[sflag:s13] =	ssyncset.done $0x0  }
0x4c: {  	s30 =	sadd.s32 $0x100, s25;
	[sflag:s13] =	ssyncadd.s32 $0xFFFFC180  }
0x4d: {  	[tilespmem:s16], [sflag:$0x1] =	stream.indirect.gather [hbm4b:s1+s15], $0x80, s30, s15, $0xb8;
	[tilespmem:$0x1E080] =	vst v63  }
0x4e: {  	_ =	swait.ge [sflag:s19], $0x3E80  }
0x4f: {  	[sflag:s19] =	ssyncset.done $0x0  }
0x50: {  	s31 =	sadd.s32 $0x1480, s25;
	[sflag:s19] =	ssyncadd.s32 $0xFFFFC180  }
0x51: {  	[spmem:s2] =	stream.indirect.scatter.add.f32 [tilespmem:s17], [sflag:$0x3], $0x80, s31, s15, $0xb8;
	[tilespmem:$0x1E080] =	vst v63  }
0x52: {  	_ =	swait.ge [sflag:s13], $0x3E80  }
0x53: {  	[sflag:s13] =	ssyncset.done $0x0  }
0x54: {  	[sflag:s13] =	ssyncadd.s32 $0xFFFFC180  }
0x55: {  	[tilespmem:s17], [sflag:$0x2] =	stream.indirect.gather [hbm4b:s1+s15], $0x80, s20, s15, $0xb8;
	[tilespmem:$0x1E080] =	vst v63  }
0x56: {  	_ =	swait.ge [sflag:s18], $0x3E80  }
0x57: {  	[sflag:s18] =	ssyncset.done $0x0  }
0x58: {  	[sflag:s18] =	ssyncadd.s32 $0xFFFFC180  }
0x59: {  	[spmem:s2] =	stream.indirect.scatter.add.f32 [tilespmem:s16], [sflag:$0x3], $0x80, s21, s15, $0xb8;
	[tilespmem:$0x1E080] =	vst v63  }
0x5a: {  	_ =	swait.ge [sflag:s13], $0x3E80  }
0x5b: {  	[sflag:s13] =	ssyncset.done $0x0  }
0x5c: {  	[sflag:s13] =	ssyncadd.s32 $0xFFFFC180  }
0x5d: {  	_ =	swait.ge [sflag:s19], $0x3E80  }
0x5e: {  	[sflag:s19] =	ssyncset.done $0x0  }
0x5f: {  	[sflag:s19] =	ssyncadd.s32 $0xFFFFC180  }
0x60: {  	[spmem:s2] =	stream.indirect.scatter.add.f32 [tilespmem:s17], [sflag:$0x3], $0x80, s22, s15, $0xb8;
	[tilespmem:$0x1E080] =	vst v63  }
0x61: {  	_ =	swait.ge [sflag:s13], $0x3E80  }
0x62: {  	[sflag:s13] =	ssyncset.done $0x0  }
0x63: {  	s26 =	simm.s32 $0x0;
	[sflag:s13] =	ssyncadd.s32 $0xFFFFC180  }
0x64: {  	[tilespmem:s26], [sflag:$0x3] =	stream.linear.gather [hbm4b:s8+s26], $0x1400, $0x38;
	[tilespmem:$0x1E080] =	vst v63  }
0x65: {  	_ =	swait.ge [sflag:s13], $0x1400  }
0x66: {  	[sflag:s13] =	ssyncset.done $0x0  }
0x67: {  	[sflag:s13] =	ssyncadd.s32 $0xFFFFEC00  }
0x68: {  	[tilespmem:s14], [sflag:$0x3] =	stream.linear.gather [hbm4b:s9+s26], $0x1400, $0x38;
	[tilespmem:$0x1E080] =	vst v63  }
0x69: {  	_ =	swait.ge [sflag:s13], $0x1400  }
0x6a: {  	[sflag:s13] =	ssyncset.done $0x0  }
0x6b: {  	[sflag:s13] =	ssyncadd.s32 $0xFFFFEC00  }
0x6c: {  	[tilespmem:s16], [sflag:$0x1] =	stream.indirect.gather [hbm4b:s1+s15], $0x80, s26, s15, $0xb8;
	[tilespmem:$0x1E080] =	vst v63  }
0x6d: {  	s28 =	simm.s32 $0x80  }
0x6e: {  	[tilespmem:s17], [sflag:$0x2] =	stream.indirect.gather [hbm4b:s1+s15], $0x80, s28, s15, $0xb8;
	[tilespmem:$0x1E080] =	vst v63  }
0x6f: {  	_ =	swait.ge [sflag:s18], $0x3E80  }
0x70: {  	[sflag:s18] =	ssyncset.done $0x0  }
0x71: {  	s29 =	simm.s32 $0x1400;
	[sflag:s18] =	ssyncadd.s32 $0xFFFFC180  }
0x72: {  	[spmem:s2] =	stream.indirect.scatter.add.f32 [tilespmem:s16], [sflag:$0x3], $0x80, s29, s15, $0xb8;
	[tilespmem:$0x1E080] =	vst v63  }
0x73: {  	_ =	swait.ge [sflag:s13], $0x3E80  }
0x74: {  	[sflag:s13] =	ssyncset.done $0x0  }
0x75: {  	s30 =	simm.s32 $0x100;
	[sflag:s13] =	ssyncadd.s32 $0xFFFFC180  }
0x76: {  	[tilespmem:s16], [sflag:$0x1] =	stream.indirect.gather [hbm4b:s1+s15], $0x80, s30, s15, $0xb8;
	[tilespmem:$0x1E080] =	vst v63  }
0x77: {  	_ =	swait.ge [sflag:s19], $0x3E80  }
0x78: {  	[sflag:s19] =	ssyncset.done $0x0  }
0x79: {  	s31 =	simm.s32 $0x1480;
	[sflag:s19] =	ssyncadd.s32 $0xFFFFC180  }
0x7a: {  	[spmem:s2] =	stream.indirect.scatter.add.f32 [tilespmem:s17], [sflag:$0x3], $0x80, s31, s15, $0xb8;
	[tilespmem:$0x1E080] =	vst v63  }
0x7b: {  	_ =	swait.ge [sflag:s13], $0x3E80  }
0x7c: {  	s25 =	simm.s32 $0x100;
	s26 =	simm.s32 $0x800;
	[sflag:s13] =	ssyncset.done $0x0  }
.LBB2_4:
0x7d: {  	s28 =	sadd.s32 $0x80, s25  }
0x7e: {  	[sflag:s13] =	ssyncadd.s32 $0xFFFFC180;
	s29 =	smov.u32 s26;
	s30 =	sadd.s32 $0x400, s26  }
0x7f: {  	[tilespmem:s17], [sflag:$0x2] =	stream.indirect.gather [hbm4b:s1+s15], $0x80, s28, s15, $0xb8;
	[tilespmem:$0x1E080] =	vst v63  }
0x80: {  	p1 =	sne.s32 s26, $0x4800;
	_ =	swait.ge [sflag:s18], $0x3E80  }
0x81: {  	[sflag:s18] =	ssyncset.done $0x0  }
0x82: {  	s26 =	sadd.s32 $0x1400, s25;
	[sflag:s18] =	ssyncadd.s32 $0xFFFFC180  }
0x83: {  	[spmem:s2] =	stream.indirect.scatter.add.f32 [tilespmem:s16], [sflag:$0x3], $0x80, s26, s15, $0xb8;
	[tilespmem:$0x1E080] =	vst v63  }
0x84: {  	_ =	swait.ge [sflag:s13], $0x3E80  }
0x85: {  	[sflag:s13] =	ssyncset.done $0x0  }
0x86: {  	s26 =	sadd.s32 $0x100, s25;
	[sflag:s13] =	ssyncadd.s32 $0xFFFFC180  }
0x87: {  	[tilespmem:s16], [sflag:$0x1] =	stream.indirect.gather [hbm4b:s1+s15], $0x80, s26, s15, $0xb8;
	[tilespmem:$0x1E080] =	vst v63  }
0x88: {  	_ =	swait.ge [sflag:s19], $0x3E80  }
.Ltmp1:
0x89: {  	[sflag:s19] =	ssyncset.done $0x0;
	(pc) =	sbr.rel @p1 .LBB2_4-.Ltmp1, $4  }
0x8a: {  	s25 =	sadd.s32 $0x1480, s25;
	[sflag:s19] =	ssyncadd.s32 $0xFFFFC180  }
0x8b: {  	[spmem:s2] =	stream.indirect.scatter.add.f32 [tilespmem:s17], [sflag:$0x3], $0x80, s25, s15, $0xb8;
	[tilespmem:$0x1E080] =	vst v63  }
0x8c: {  	_ =	swait.ge [sflag:s13], $0x3E80  }
0x8d: {  	s26 =	smov.u32 s30;
	s25 =	sshra.s32 s29, $0x2;
	[sflag:s13] =	ssyncset.done $0x0  }
0x8e: {  	s26 =	sadd.s32 $0x80, s25;
	[sflag:s13] =	ssyncadd.s32 $0xFFFFC180  }
0x8f: {  	[tilespmem:s17], [sflag:$0x2] =	stream.indirect.gather [hbm4b:s1+s15], $0x80, s26, s15, $0xb8;
	[tilespmem:$0x1E080] =	vst v63  }
0x90: {  	_ =	swait.ge [sflag:s18], $0x3E80  }
0x91: {  	[sflag:s18] =	ssyncset.done $0x0  }
0x92: {  	s29 =	sadd.s32 $0x1400, s25;
	[sflag:s18] =	ssyncadd.s32 $0xFFFFC180  }
0x93: {  	[spmem:s2] =	stream.indirect.scatter.add.f32 [tilespmem:s16], [sflag:$0x3], $0x80, s29, s15, $0xb8;
	[tilespmem:$0x1E080] =	vst v63  }
0x94: {  	_ =	swait.ge [sflag:s13], $0x3E80  }
0x95: {  	[sflag:s13] =	ssyncset.done $0x0  }
0x96: {  	s30 =	sadd.s32 $0x100, s25;
	[sflag:s13] =	ssyncadd.s32 $0xFFFFC180  }
0x97: {  	[tilespmem:s16], [sflag:$0x1] =	stream.indirect.gather [hbm4b:s1+s15], $0x80, s30, s15, $0xb8;
	[tilespmem:$0x1E080] =	vst v63  }
0x98: {  	_ =	swait.ge [sflag:s19], $0x3E80  }
0x99: {  	[sflag:s19] =	ssyncset.done $0x0  }
0x9a: {  	s31 =	sadd.s32 $0x1480, s25;
	[sflag:s19] =	ssyncadd.s32 $0xFFFFC180  }
0x9b: {  	[spmem:s2] =	stream.indirect.scatter.add.f32 [tilespmem:s17], [sflag:$0x3], $0x80, s31, s15, $0xb8;
	[tilespmem:$0x1E080] =	vst v63  }
0x9c: {  	_ =	swait.ge [sflag:s13], $0x3E80  }
0x9d: {  	[sflag:s13] =	ssyncset.done $0x0  }
0x9e: {  	[sflag:s13] =	ssyncadd.s32 $0xFFFFC180  }
0x9f: {  	[tilespmem:s17], [sflag:$0x2] =	stream.indirect.gather [hbm4b:s1+s15], $0x80, s20, s15, $0xb8;
	[tilespmem:$0x1E080] =	vst v63  }
0xa0: {  	_ =	swait.ge [sflag:s18], $0x3E80  }
0xa1: {  	[sflag:s18] =	ssyncset.done $0x0  }
0xa2: {  	[sflag:s18] =	ssyncadd.s32 $0xFFFFC180  }
0xa3: {  	[spmem:s2] =	stream.indirect.scatter.add.f32 [tilespmem:s16], [sflag:$0x3], $0x80, s21, s15, $0xb8;
	[tilespmem:$0x1E080] =	vst v63  }
0xa4: {  	_ =	swait.ge [sflag:s13], $0x3E80  }
0xa5: {  	[sflag:s13] =	ssyncset.done $0x0  }
0xa6: {  	[sflag:s13] =	ssyncadd.s32 $0xFFFFC180  }
0xa7: {  	_ =	swait.ge [sflag:s19], $0x3E80  }
0xa8: {  	[sflag:s19] =	ssyncset.done $0x0  }
0xa9: {  	[sflag:s19] =	ssyncadd.s32 $0xFFFFC180  }
0xaa: {  	[spmem:s2] =	stream.indirect.scatter.add.f32 [tilespmem:s17], [sflag:$0x3], $0x80, s22, s15, $0xb8;
	[tilespmem:$0x1E080] =	vst v63  }
0xab: {  	_ =	swait.ge [sflag:s13], $0x3E80  }
0xac: {  	s24 =	sadd.s32 $0x1, s24;
	[sflag:s13] =	ssyncset.done $0x0  }
0xad: {  	p1 =	sne.s32 s24, s10;
	[sflag:s13] =	ssyncadd.s32 $0xFFFFC180  }
.Ltmp2:
0xae: {  	s25 =	simm.s32 @!p0 $0x3;
	[bflag:$0x0] =	sbarrier.arrive $0xFFFF;
	(pc) =	sbr.rel @p1 .LBB2_1-.Ltmp2, $4  }
0xaf: {  	[hbm:s23], [sflag:s11] =	dma.local @!p0 [spmem:s12], $0x3E80  }
0xb0: {  	_ =	swait.ge @!p0 [sflag:s25], $0x3E80  }
0xb1: {  	[sflag:s25] =	ssyncset.done @!p0 $0x0  }
0xb2: {  	[sflag:s25] =	ssyncadd.s32 @!p0 $0xFFFFC180  }
0xb3: {  	_ =	sfence.sel $0x180000  }
0xb4: {  	[bflag:$0x0] =	sbarrier.arrive $0xFFFF  }
0xb5: {  	p0 =	sne.s32 s3, $0x0;
	_ =	strace $0x9000004A  }
0xb6: {  	s0 =	sadd.s32 @!p0 $0x100000, s0;
	[bflag:$0x2] =	sbarrier.arrive $0xFFFF  }
0xb7: {  	[sflag:s0] =	ssyncadd.tile.s32 @!p0 $0x1;
	_ =	shalt  }
.Lfunc_end2:
_tile_overlayer_lowered:
.L_overlay_start_2:
0xb8: {  	(tag) =	ssettag $0x2  }
0xb9: {  	s0 =	rddreg [dreg:$0x0];
	s2 =	stileid.u32  }
0xba: {  	s1 =	rddreg [dreg:$0x1];
	p0 =	sne.s32 s2, $0x0  }
0xbb: {  	s3 =	rddreg [dreg:$0x2];
	[bflag:$0x3] =	sbarrier.arrive $0xFFFF;
	s2 =	simm.s32 @!p0 $0x1C03  }
0xbc: {  	[timem:s3], [sflag:s2] =	dma.local @!p0 [hbm:s0], s1  }
0xbd: {  	s0 =	simm.s32 @!p0 $0x3  }
0xbe: {  	_ =	swait.ge @!p0 [sflag:s0], s1  }
0xbf: {  	s1 =	ssub.s32 @!p0 $0x0, s1;
	[sflag:s0] =	ssyncset.done @!p0 $0x0  }
0xc0: {  	[sflag:s0] =	ssyncadd.s32 @!p0 s1  }
0xc1: {  	[bflag:$0x3] =	sbarrier.arrive $0xFFFF  }
0xc2: {  	_ =	shalt  }

// kernel: kernel.14.cloned.1.call-start
scs
__scs_entry_jumppad:
0x0: {  	(pc) =	sbr.rel $0x88, $3  }
0x1: {  	(tag) =	ssettag $0x0;
	lr =	simm.s32 $0x1  }
0x2: {  	[smem:$0x3F9B] =	sst lr;
	_ =	strace $0xD0000000  }
0x3: {  	_ = 	snop  }
0x4: {  	_ = 	snop  }
0x5: {  	_ = 	snop  }
0x6: {  	_ = 	snop  }
0x7: {  	_ = 	snop  }
__scs_overlays_trampoline_lowered:
0x8: {  	[smem:$0x3FAA] =	sst s0  }
0x9: {  	[smem:$0x3FAB] =	sst s1  }
0xa: {  	[smem:$0x3FAC] =	sst s2  }
0xb: {  	[smem:$0x3FAD] =	sst s3  }
0xc: {  	[smem:$0x3FAE] =	sst s4  }
0xd: {  	[smem:$0x3FAF] =	sst s5  }
0xe: {  	[smem:$0x3FB0] =	sst s6  }
0xf: {  	[smem:$0x3FB1] =	sst s7  }
0x10: {  	[smem:$0x3FB2] =	sst s8  }
0x11: {  	[smem:$0x3FB3] =	sst s9;
	s0 =	simm.s32 @!p0 $0x0  }
0x12: {  	s1 =	sld [smem:$0x3F99];
	s0 =	simm.s32 @p0 $0x1  }
0x13: {  	[smem:$0x3FB4] =	sst s0;
	s0 =	simm.s32 @!p1 $0x0  }
0x14: {  	s2 =	sld [smem:$0x3F98];
	s0 =	simm.s32 @p1 $0x1  }
0x15: {  	[smem:$0x3FB5] =	sst s0;
	s0 =	simm.s32 @!p2 $0x0  }
0x16: {  	s3 =	sld [smem:$0x3FDB];
	s0 =	simm.s32 @p2 $0x1  }
0x17: {  	s4 =	simm.s32 $0x1BF5;
	[smem:$0x3FB7] =	sst s0  }
0x18: {  	s0 =	sld [smem:$0x3F9A];
	_ =	swait.ge [sflag:s4], $0x0  }
0x19: {  	s7 =	sld [smem:$0x3F9B]  }
0x1a: {  	s8 =	sadd.s32 $0xFFFFE003, lr  }
0x1b: {  	s9 =	sadd.s32 $0xFFFFFEF7, lr;
	s5 =	simm.s32 $0xFFFFFFFF;
	p2 =	slt.u32 s8, $0xFFFFF086  }
0x1c: {  	p1 =	slt.u32 s9, $0xF7A;
	s5 =	simm.s32 @!p2 $0x0  }
0x1d: {  	s5 =	simm.s32 @p1 $0x1;
	p0 =	seq.s32 s7, s2  }
0x1e: {  	s7 =	smul.u32 @!p0 $0xF7A, s2;
	p2 =	seq.s32 @!p0 s5, $0x0  }
0x1f: {  	s9 =	smul.u32 $0xF7A, s1;
	s8 =	simm.s32 @!p0 $0x1BF5;
	p2 =	por !p2, p0  }
0x20: {  	[sflag:s8] =	ssyncset.s32 @!p0 $0xFFFFF086;
	s6 =	sadd.s32 @!p0 s3, s7;
	s7 =	simm.s32 @!p0 $0x108  }
0x21: {  	s3 =	sadd.s32 s3, s9;
	s6 =	sadd.s32 @!p0 $0x88, s6;
	s7 =	simm.s32 @p2 $0x1082  }
0x22: {  	[simem:s7], [sflag:s8] =	dma.local @!p0 [hbm:s6], $0xF7A  }
0x23: {  	s9 =	sor.u32 $0xD0000000, s2;
	s6 =	simm.s32 $0x108;
	_ =	swait.ge @!p0 [sflag:s8], $0x0  }
0x24: {  	s3 =	sadd.s32 $0x88, s3;
	s6 =	simm.s32 @!p1 $0x1082;
	[sflag:s4] =	ssyncset.s32 $0xFFFFF086  }
0x25: {  	[simem:s6], [sflag:s4] =	dma.local [hbm:s3], $0xF7A  }
0x26: {  	[smem:$0x3F9B] =	sst s1;
	(tag) =	ssettag s2;
	_ =	strace s9  }
0x27: {  	s1 =	sld [smem:$0x3FAB]  }
0x28: {  	s2 =	sld [smem:$0x3FAC]  }
0x29: {  	s4 =	sld [smem:$0x3FAE]  }
0x2a: {  	p0 =	seq.s32 s5, $0x0;
	s5 =	sld [smem:$0x3FAF]  }
0x2b: {  	s6 =	sld [smem:$0x3FB0]  }
0x2c: {  	s7 =	sld [smem:$0x3FB1]  }
0x2d: {  	s3 =	simm.s32 $0x108;
	s8 =	sld [smem:$0x3FB2]  }
0x2e: {  	s3 =	simm.s32 @!p0 $0x1082;
	s9 =	sld [smem:$0x3FB3]  }
0x2f: {  	lr =	sadd.s32 s0, s3;
	s0 =	sld [smem:$0x3FAA]  }
0x30: {  	s3 =	sld [smem:$0x3FAD]  }
0x31: {  	[smem:$0x3FB6] =	sst s10  }
0x32: {  	s10 =	sld [smem:$0x3FB4];
	_ =	sdelay $0x3  }
0x33: {  	p0 =	seq.s32 s10, $0x1;
	s10 =	sld [smem:$0x3FB6];
	_ =	sdelay $0x3  }
0x34: {  	[smem:$0x3FB6] =	sst s10  }
0x35: {  	s10 =	sld [smem:$0x3FB5];
	_ =	sdelay $0x3  }
0x36: {  	p1 =	seq.s32 s10, $0x1;
	s10 =	sld [smem:$0x3FB6];
	_ =	sdelay $0x3  }
0x37: {  	[smem:$0x3FB6] =	sst s10  }
0x38: {  	s10 =	sld [smem:$0x3FB7]  }
0x39: {  	_ = 	snop;
	(pc) =	sbr.ind lr, $3  }
0x3a: {  	_ = 	snop  }
0x3b: {  	_ = 	snop  }
0x3c: {  	p2 =	seq.s32 s10, $0x1;
	s10 =	sld [smem:$0x3FB6]  }
0x3d: {  	_ =	shalt  }
0x3e: {  	_ =	shalt  }
0x3f: {  	_ =	shalt  }
0x40: {  	_ =	shalt  }
0x41: {  	_ =	shalt  }
0x42: {  	_ =	shalt  }
0x43: {  	_ =	shalt  }
0x44: {  	_ =	shalt  }
0x45: {  	_ =	shalt  }
0x46: {  	_ =	shalt  }
0x47: {  	_ =	shalt  }
0x48: {  	_ =	shalt  }
0x49: {  	_ =	shalt  }
0x4a: {  	_ =	shalt  }
0x4b: {  	_ =	shalt  }
0x4c: {  	_ =	shalt  }
0x4d: {  	_ =	shalt  }
0x4e: {  	_ =	shalt  }
0x4f: {  	_ =	shalt  }
0x50: {  	_ =	shalt  }
0x51: {  	_ =	shalt  }
0x52: {  	_ =	shalt  }
0x53: {  	_ =	shalt  }
0x54: {  	_ =	shalt  }
0x55: {  	_ =	shalt  }
0x56: {  	_ =	shalt  }
0x57: {  	_ =	shalt  }
0x58: {  	_ =	shalt  }
0x59: {  	_ =	shalt  }
0x5a: {  	_ =	shalt  }
0x5b: {  	_ =	shalt  }
0x5c: {  	_ =	shalt  }
0x5d: {  	_ =	shalt  }
0x5e: {  	_ =	shalt  }
0x5f: {  	_ =	shalt  }
0x60: {  	_ =	shalt  }
0x61: {  	_ =	shalt  }
0x62: {  	_ =	shalt  }
0x63: {  	_ =	shalt  }
0x64: {  	_ =	shalt  }
0x65: {  	_ =	shalt  }
0x66: {  	_ =	shalt  }
0x67: {  	_ =	shalt  }
0x68: {  	_ =	shalt  }
0x69: {  	_ =	shalt  }
0x6a: {  	_ =	shalt  }
0x6b: {  	_ =	shalt  }
0x6c: {  	_ =	shalt  }
0x6d: {  	_ =	shalt  }
0x6e: {  	_ =	shalt  }
0x6f: {  	_ =	shalt  }
0x70: {  	_ =	shalt  }
0x71: {  	_ =	shalt  }
0x72: {  	_ =	shalt  }
0x73: {  	_ =	shalt  }
0x74: {  	_ =	shalt  }
0x75: {  	_ =	shalt  }
0x76: {  	_ =	shalt  }
0x77: {  	_ =	shalt  }
0x78: {  	_ =	shalt  }
0x79: {  	_ =	shalt  }
0x7a: {  	_ =	shalt  }
0x7b: {  	_ =	shalt  }
0x7c: {  	_ =	shalt  }
0x7d: {  	_ =	shalt  }
0x7e: {  	_ =	shalt  }
0x7f: {  	_ =	shalt  }
0x80: {  	_ =	shalt  }
0x81: {  	_ =	shalt  }
0x82: {  	_ =	shalt  }
0x83: {  	_ =	shalt  }
0x84: {  	_ =	shalt  }
0x85: {  	_ =	shalt  }
0x86: {  	_ =	shalt  }
0x87: {  	_ =	shalt  }
.Lfunc_end0:
.L_simem_size_0:
called_computation.2_lowered:
.L_overlay_start_0:
0x88: {  	s2 =	sld [smem:$0x3FD9]  }
0x89: {  	s3 =	sld [smem:$0x3FFE];
	_ =	sdelay $0x1  }
0x8a: {  	s1 =	srdreg.scid  }
0x8b: {  	s0 =	sand.u32 $0x1, s1  }
0x8c: {  	s17 =	sshll.u32 s0, $0xA;
	s2 =	sadd.s32 s3, s2  }
0x8d: {  	s2 =	sadd.s32 s2, s17  }
0x8e: {  	[smem:$0x3FC2] =	sst s2  }
0x8f: {  	_ = 	snop  }
0x90: {  	s2 =	sld [smem:$0x3FD0];
	(tm) =	ssettm $0x1  }
0x91: {  	s18 =	sld [smem:$0x3FFB];
	_ =	sdelay $0x3  }
0x92: {  	_ =	strace s18  }
0x93: {  	s3 =	sld [smem:$0x3FFC];
	_ =	sdelay $0x3  }
0x94: {  	_ =	strace s3  }
0x95: {  	s3 =	sld [smem:$0x3FFD];
	_ =	sdelay $0x3  }
0x96: {  	_ =	strace s3  }
0x97: {  	_ =	strace $0x8FFFFFFF  }
0x98: {  	s19 =	sld [smem:$0x3FDB];
	_ =	sdelay $0x1  }
0x99: {  	s4 =	simm.s32 $_scs_section_size  }
0x9a: {  	s5 =	simm.s32 $_size__tile_overlayer_lowered;
	s6 =	simm.s32 $_tile_overlayer_lowered  }
0x9b: {  	s22 =	simm.s32 $0x1BFF;
	s21 =	sshll.u32 s6, $0x1;
	s3 =	sadd.s32 s4, s19  }
0x9c: {  	s7 =	simm.s32 $0x0;
	s20 =	sshll.u32 s5, $0x1;
	s5 =	sadd.s32 s21, s3  }
0x9d: {  	[timem:s7], [sflag:s22] =	dma.local [hbm:s5], s20  }
0x9e: {  	_ =	swait.ge [sflag:s22], s20  }
0x9f: {  	s4 =	ssub.s32 $0x0, s20;
	[sflag:s22] =	ssyncset.done $0x0  }
0xa0: {  	[sflag:s22] =	ssyncadd.s32 s4;
	_ =	sdelay $0x1  }
0xa1: {  	s23 =	simm.s32 $0x1B8B  }
0xa2: {  	_ =	swait.ge [sflag:s23], $0x1  }
0xa3: {  	[sflag:s23] =	ssyncset.done $0x0  }
0xa4: {  	s25 =	simm.s32 $0x1B8E;
	s24 =	sld [smem:$0x3FFE];
	[sflag:s23] =	ssyncadd.s32 $0xFFFFFFFF  }
0xa5: {  	s26 =	simm.s32 $execute0_lowered;
	[smem:$0x3FD2] =	sst s25  }
0xa6: {  	s5 =	sshll.u32 s26, $0x1;
	_ =	strace $0x8000004C;
	[dreg:$0x1] =	wrdreg $0xFFFFFFFF  }
0xa7: {  	s28 =	simm.s32 $_size_execute0_lowered;
	s3 =	sadd.s32 s3, s5;
	[dreg:$0x0] =	wrdreg $0x0  }
0xa8: {  	s5 =	sshll.u32 s28, $0x1;
	[dreg:$0x2] =	wrdreg s3  }
0xa9: {  	[dreg:$0x3] =	wrdreg s5  }
0xaa: {  	[dreg:$0x4] =	wrdreg $0xC0  }
0xab: {  	_ =	task [dreg:s7], $0x5FFFF  }
0xac: {  	[dreg:$0x1] =	wrdreg $0xFFFFFFFF  }
0xad: {  	[dreg:$0x0] =	wrdreg $0x60  }
0xae: {  	[dreg:$0x2] =	wrdreg s2  }
0xaf: {  	[dreg:$0x3] =	wrdreg s24  }
0xb0: {  	[dreg:$0x4] =	wrdreg $0xA8000  }
0xb1: {  	[dreg:$0x5] =	wrdreg $0x9  }
0xb2: {  	_ =	task.clear_ibuf [dreg:s7], $0x6FFFF;
	_ =	strace $0x9000004C  }
0xb3: {  	s29 =	simm.s32 $0x9;
	_ =	strace $0x8000004E  }
0xb4: {  	_ =	swait.ge [sflag:s29], $0x1  }
0xb5: {  	[sflag:s29] =	ssyncadd.s32 $0xFFFFFFFF  }
0xb6: {  	_ =	strace $0x9000004E  }
0xb7: {  	_ =	sfence  }
0xb8: {  	s30 =	sld [smem:$0x0];
	_ =	sdelay $0x2  }
0xb9: {  	s31 =	sshll.u32 s1, $0xD;
	s1 =	sshrl.u32 s1, $0x2  }
0xba: {  	s3 =	sand.u32 $0x4000, s31;
	s1 =	sadd.s32 s1, s30  }
0xbb: {  	s0 =	sor.u32 s3, s0;
	s1 =	sshll.u32 s1, $0x11  }
0xbc: {  	s0 =	sor.u32 s1, s0  }
0xbd: {  	s0 =	sadd.s32 $0x8F2B, s0  }
0xbe: {  	[sflag:s0] =	ssyncadd.remote.s32 $0x1  }
0xbf: {  	_ =	sfence.sel $0xFFFF  }
0xc0: {  	[dreg:$0x0] =	wrdreg $0xFFFFFFFF;
	(pc) =	sbr.abs _section_cstart, $3  }
0xc1: {  	[dreg:$0x1] =	wrdreg $0xFFFFFFFF  }
0xc2: {  	_ =	task.clear_ibuf [dreg:s7], $0x2FFFF;
	_ =	strace $0x9FFFFFFF  }
0xc3: {  	(tm) =	ssettm $0x7FFFFFFF  }
tec
execute0_lowered:
.L_overlay_start_1:
0x0: {  	(tag) =	ssettag $0x1  }
0x1: {  	s1 =	rddreg [dreg:$0x0]  }
0x2: {  	s5 =	rddreg [dreg:$0x1]  }
0x3: {  	s2 =	rddreg [dreg:$0x2]  }
0x4: {  	s0 =	rddreg [dreg:$0x3];
	s4 =	simm.s32 $0x0;
	s3 =	stileid.u32  }
0x5: {  	s6 =	srdreg.scid;
	s15 =	simm.s32 $0x7D;
	s16 =	simm.s32 $0x2800  }
0x6: {  	s17 =	simm.s32 $0x6800;
	s18 =	simm.s32 $0x1;
	s19 =	simm.s32 $0x2  }
0x7: {  	s20 =	simm.s32 $0x1380;
	s21 =	simm.s32 $0x2700;
	s22 =	simm.s32 $0x2780  }
0x8: {  	[smem:$0x7FF] =	sst s4;
	s8 =	sadd.s32 $0x65400, s5;
	s23 =	smul.u32 $0x3E80, s3  }
0x9: {  	s6 =	sand.u32 $0x1, s6;
	s9 =	sadd.s32 $0x5B400, s5;
	s12 =	smul.u32 $0x7D000, s3  }
0xa: {  	p0 =	sgt.u32 s3, $0x9;
	_ =	strace $0x8000004D;
	s10 =	sshll.u32 s6, $0x4  }
0xb: {  	s7 =	smul.u32 $0x27100, s6;
	s26 =	ssub.s32 $0x2, s6;
	s10 =	sor.u32 s3, s10  }
0xc: {  	s11 =	sadd.s32 s23, s5;
	s29 =	sshrl.u32 s26, $0x1;
	s28 =	smul.u32 $0x2800, s10  }
0xd: {  	s12 =	sshrl.u32 s12, $0x2;
	s13 =	sadd.s32 s7, s5;
	s10 =	smul.u32 $0x500, s10  }
0xe: {  	s14 =	ssub.s32 s26, s29;
	s5 =	sadd.s32 $0x2600, s11;
	s11 =	sshll.u32 @!p0 s3, $0x6  }
0xf: {  	s12 =	sadd.s32 s12, s2;
	s24 =	sadd.s32 $0x6F400, s13;
	s11 =	sor.u32 @!p0 $0x1C03, s11  }
0x10: {  	s12 =	sshrl.u32 @!p0 s12, $0x3;
	s13 =	simm.s32 $0x3;
	s30 =	sshrl.u32 s28, $0x3  }
0x11: {  	s6 =	sadd.s32 s8, s10;
	s7 =	sadd.s32 s9, s10;
	s10 =	smax.u32 s14, $0x1  }
0x12: {  	s14 =	simm.s32 $0x1400;
	s23 =	sadd.s32 @!p0 s23, s24;
	s31 =	sadd.s32 $0x280, s30  }
0x13: {  	s24 =	simm.s32 $0x0;
	s8 =	sadd.s32 s8, s31;
	s9 =	sadd.s32 s9, s31  }
.LBB2_1:
0x14: {  	[spmem:s12], [sflag:s11] =	dma.local @!p0 [hbm:s5], $0x3E80  }
0x15: {  	s25 =	simm.s32 @!p0 $0x3  }
0x16: {  	_ =	swait.ge @!p0 [sflag:s25], $0x3E80  }
0x17: {  	[sflag:s25] =	ssyncset.done @!p0 $0x0  }
0x18: {  	[sflag:s25] =	ssyncadd.s32 @!p0 $0xFFFFC180  }
0x19: {  	[bflag:$0x0] =	sbarrier.arrive $0xFFFF  }
0x1a: {  	[tilespmem:s4], [sflag:$0x3] =	stream.linear.gather [hbm4b:s6+s4], $0x1400, $0x38;
	[tilespmem:$0x1E080] =	vst v63  }
0x1b: {  	_ =	swait.ge [sflag:s13], $0x1400  }
0x1c: {  	[sflag:s13] =	ssyncset.done $0x0  }
0x1d: {  	[sflag:s13] =	ssyncadd.s32 $0xFFFFEC00  }
0x1e: {  	[tilespmem:s14], [sflag:$0x3] =	stream.linear.gather [hbm4b:s7+s4], $0x1400, $0x38;
	[tilespmem:$0x1E080] =	vst v63  }
0x1f: {  	_ =	swait.ge [sflag:s13], $0x1400  }
0x20: {  	[sflag:s13] =	ssyncset.done $0x0  }
0x21: {  	[sflag:s13] =	ssyncadd.s32 $0xFFFFEC00  }
0x22: {  	[tilespmem:s16], [sflag:$0x1] =	stream.indirect.gather [hbm4b:s1+s15], $0x80, s4, s15, $0xb8;
	[tilespmem:$0x1E080] =	vst v63  }
0x23: {  	s28 =	simm.s32 $0x80  }
0x24: {  	[tilespmem:s17], [sflag:$0x2] =	stream.indirect.gather [hbm4b:s1+s15], $0x80, s28, s15, $0xb8;
	[tilespmem:$0x1E080] =	vst v63  }
0x25: {  	_ =	swait.ge [sflag:s18], $0x3E80  }
0x26: {  	[sflag:s18] =	ssyncset.done $0x0  }
0x27: {  	s29 =	simm.s32 $0x1400;
	[sflag:s18] =	ssyncadd.s32 $0xFFFFC180  }
0x28: {  	[spmem:s2] =	stream.indirect.scatter.add.f32 [tilespmem:s16], [sflag:$0x3], $0x80, s29, s15, $0xb8;
	[tilespmem:$0x1E080] =	vst v63  }
0x29: {  	_ =	swait.ge [sflag:s13], $0x3E80  }
0x2a: {  	[sflag:s13] =	ssyncset.done $0x0  }
0x2b: {  	s30 =	simm.s32 $0x100;
	[sflag:s13] =	ssyncadd.s32 $0xFFFFC180  }
0x2c: {  	[tilespmem:s16], [sflag:$0x1] =	stream.indirect.gather [hbm4b:s1+s15], $0x80, s30, s15, $0xb8;
	[tilespmem:$0x1E080] =	vst v63  }
0x2d: {  	_ =	swait.ge [sflag:s19], $0x3E80  }
0x2e: {  	[sflag:s19] =	ssyncset.done $0x0  }
0x2f: {  	s31 =	simm.s32 $0x1480;
	[sflag:s19] =	ssyncadd.s32 $0xFFFFC180  }
0x30: {  	[spmem:s2] =	stream.indirect.scatter.add.f32 [tilespmem:s17], [sflag:$0x3], $0x80, s31, s15, $0xb8;
	[tilespmem:$0x1E080] =	vst v63  }
0x31: {  	_ =	swait.ge [sflag:s13], $0x3E80  }
0x32: {  	s26 =	simm.s32 $0x800;
	s25 =	simm.s32 $0x100;
	[sflag:s13] =	ssyncset.done $0x0  }
.LBB2_2:
0x33: {  	s28 =	sadd.s32 $0x80, s25  }
0x34: {  	[sflag:s13] =	ssyncadd.s32 $0xFFFFC180;
	s29 =	smov.u32 s26;
	s30 =	sadd.s32 $0x400, s26  }
0x35: {  	[tilespmem:s17], [sflag:$0x2] =	stream.indirect.gather [hbm4b:s1+s15], $0x80, s28, s15, $0xb8;
	[tilespmem:$0x1E080] =	vst v63  }
0x36: {  	p1 =	sne.s32 s26, $0x4800;
	_ =	swait.ge [sflag:s18], $0x3E80  }
0x37: {  	[sflag:s18] =	ssyncset.done $0x0  }
0x38: {  	s26 =	sadd.s32 $0x1400, s25;
	[sflag:s18] =	ssyncadd.s32 $0xFFFFC180  }
0x39: {  	[spmem:s2] =	stream.indirect.scatter.add.f32 [tilespmem:s16], [sflag:$0x3], $0x80, s26, s15, $0xb8;
	[tilespmem:$0x1E080] =	vst v63  }
0x3a: {  	_ =	swait.ge [sflag:s13], $0x3E80  }
0x3b: {  	[sflag:s13] =	ssyncset.done $0x0  }
0x3c: {  	s26 =	sadd.s32 $0x100, s25;
	[sflag:s13] =	ssyncadd.s32 $0xFFFFC180  }
0x3d: {  	[tilespmem:s16], [sflag:$0x1] =	stream.indirect.gather [hbm4b:s1+s15], $0x80, s26, s15, $0xb8;
	[tilespmem:$0x1E080] =	vst v63  }
0x3e: {  	_ =	swait.ge [sflag:s19], $0x3E80  }
.Ltmp0:
0x3f: {  	[sflag:s19] =	ssyncset.done $0x0;
	(pc) =	sbr.rel @p1 .LBB2_2-.Ltmp0, $4  }
0x40: {  	s25 =	sadd.s32 $0x1480, s25;
	[sflag:s19] =	ssyncadd.s32 $0xFFFFC180  }
0x41: {  	[spmem:s2] =	stream.indirect.scatter.add.f32 [tilespmem:s17], [sflag:$0x3], $0x80, s25, s15, $0xb8;
	[tilespmem:$0x1E080] =	vst v63  }
0x42: {  	_ =	swait.ge [sflag:s13], $0x3E80  }
0x43: {  	s26 =	smov.u32 s30;
	s25 =	sshra.s32 s29, $0x2;
	[sflag:s13] =	ssyncset.done $0x0  }
0x44: {  	s26 =	sadd.s32 $0x80, s25;
	[sflag:s13] =	ssyncadd.s32 $0xFFFFC180  }
0x45: {  	[tilespmem:s17], [sflag:$0x2] =	stream.indirect.gather [hbm4b:s1+s15], $0x80, s26, s15, $0xb8;
	[tilespmem:$0x1E080] =	vst v63  }
0x46: {  	_ =	swait.ge [sflag:s18], $0x3E80  }
0x47: {  	[sflag:s18] =	ssyncset.done $0x0  }
0x48: {  	s29 =	sadd.s32 $0x1400, s25;
	[sflag:s18] =	ssyncadd.s32 $0xFFFFC180  }
0x49: {  	[spmem:s2] =	stream.indirect.scatter.add.f32 [tilespmem:s16], [sflag:$0x3], $0x80, s29, s15, $0xb8;
	[tilespmem:$0x1E080] =	vst v63  }
0x4a: {  	_ =	swait.ge [sflag:s13], $0x3E80  }
0x4b: {  	[sflag:s13] =	ssyncset.done $0x0  }
0x4c: {  	s30 =	sadd.s32 $0x100, s25;
	[sflag:s13] =	ssyncadd.s32 $0xFFFFC180  }
0x4d: {  	[tilespmem:s16], [sflag:$0x1] =	stream.indirect.gather [hbm4b:s1+s15], $0x80, s30, s15, $0xb8;
	[tilespmem:$0x1E080] =	vst v63  }
0x4e: {  	_ =	swait.ge [sflag:s19], $0x3E80  }
0x4f: {  	[sflag:s19] =	ssyncset.done $0x0  }
0x50: {  	s31 =	sadd.s32 $0x1480, s25;
	[sflag:s19] =	ssyncadd.s32 $0xFFFFC180  }
0x51: {  	[spmem:s2] =	stream.indirect.scatter.add.f32 [tilespmem:s17], [sflag:$0x3], $0x80, s31, s15, $0xb8;
	[tilespmem:$0x1E080] =	vst v63  }
0x52: {  	_ =	swait.ge [sflag:s13], $0x3E80  }
0x53: {  	[sflag:s13] =	ssyncset.done $0x0  }
0x54: {  	[sflag:s13] =	ssyncadd.s32 $0xFFFFC180  }
0x55: {  	[tilespmem:s17], [sflag:$0x2] =	stream.indirect.gather [hbm4b:s1+s15], $0x80, s20, s15, $0xb8;
	[tilespmem:$0x1E080] =	vst v63  }
0x56: {  	_ =	swait.ge [sflag:s18], $0x3E80  }
0x57: {  	[sflag:s18] =	ssyncset.done $0x0  }
0x58: {  	[sflag:s18] =	ssyncadd.s32 $0xFFFFC180  }
0x59: {  	[spmem:s2] =	stream.indirect.scatter.add.f32 [tilespmem:s16], [sflag:$0x3], $0x80, s21, s15, $0xb8;
	[tilespmem:$0x1E080] =	vst v63  }
0x5a: {  	_ =	swait.ge [sflag:s13], $0x3E80  }
0x5b: {  	[sflag:s13] =	ssyncset.done $0x0  }
0x5c: {  	[sflag:s13] =	ssyncadd.s32 $0xFFFFC180  }
0x5d: {  	_ =	swait.ge [sflag:s19], $0x3E80  }
0x5e: {  	[sflag:s19] =	ssyncset.done $0x0  }
0x5f: {  	[sflag:s19] =	ssyncadd.s32 $0xFFFFC180  }
0x60: {  	[spmem:s2] =	stream.indirect.scatter.add.f32 [tilespmem:s17], [sflag:$0x3], $0x80, s22, s15, $0xb8;
	[tilespmem:$0x1E080] =	vst v63  }
0x61: {  	_ =	swait.ge [sflag:s13], $0x3E80  }
0x62: {  	[sflag:s13] =	ssyncset.done $0x0  }
0x63: {  	s26 =	simm.s32 $0x0;
	[sflag:s13] =	ssyncadd.s32 $0xFFFFC180  }
0x64: {  	[tilespmem:s26], [sflag:$0x3] =	stream.linear.gather [hbm4b:s8+s26], $0x1400, $0x38;
	[tilespmem:$0x1E080] =	vst v63  }
0x65: {  	_ =	swait.ge [sflag:s13], $0x1400  }
0x66: {  	[sflag:s13] =	ssyncset.done $0x0  }
0x67: {  	[sflag:s13] =	ssyncadd.s32 $0xFFFFEC00  }
0x68: {  	[tilespmem:s14], [sflag:$0x3] =	stream.linear.gather [hbm4b:s9+s26], $0x1400, $0x38;
	[tilespmem:$0x1E080] =	vst v63  }
0x69: {  	_ =	swait.ge [sflag:s13], $0x1400  }
0x6a: {  	[sflag:s13] =	ssyncset.done $0x0  }
0x6b: {  	[sflag:s13] =	ssyncadd.s32 $0xFFFFEC00  }
0x6c: {  	[tilespmem:s16], [sflag:$0x1] =	stream.indirect.gather [hbm4b:s1+s15], $0x80, s26, s15, $0xb8;
	[tilespmem:$0x1E080] =	vst v63  }
0x6d: {  	s28 =	simm.s32 $0x80  }
0x6e: {  	[tilespmem:s17], [sflag:$0x2] =	stream.indirect.gather [hbm4b:s1+s15], $0x80, s28, s15, $0xb8;
	[tilespmem:$0x1E080] =	vst v63  }
0x6f: {  	_ =	swait.ge [sflag:s18], $0x3E80  }
0x70: {  	[sflag:s18] =	ssyncset.done $0x0  }
0x71: {  	s29 =	simm.s32 $0x1400;
	[sflag:s18] =	ssyncadd.s32 $0xFFFFC180  }
0x72: {  	[spmem:s2] =	stream.indirect.scatter.add.f32 [tilespmem:s16], [sflag:$0x3], $0x80, s29, s15, $0xb8;
	[tilespmem:$0x1E080] =	vst v63  }
0x73: {  	_ =	swait.ge [sflag:s13], $0x3E80  }
0x74: {  	[sflag:s13] =	ssyncset.done $0x0  }
0x75: {  	s30 =	simm.s32 $0x100;
	[sflag:s13] =	ssyncadd.s32 $0xFFFFC180  }
0x76: {  	[tilespmem:s16], [sflag:$0x1] =	stream.indirect.gather [hbm4b:s1+s15], $0x80, s30, s15, $0xb8;
	[tilespmem:$0x1E080] =	vst v63  }
0x77: {  	_ =	swait.ge [sflag:s19], $0x3E80  }
0x78: {  	[sflag:s19] =	ssyncset.done $0x0  }
0x79: {  	s31 =	simm.s32 $0x1480;
	[sflag:s19] =	ssyncadd.s32 $0xFFFFC180  }
0x7a: {  	[spmem:s2] =	stream.indirect.scatter.add.f32 [tilespmem:s17], [sflag:$0x3], $0x80, s31, s15, $0xb8;
	[tilespmem:$0x1E080] =	vst v63  }
0x7b: {  	_ =	swait.ge [sflag:s13], $0x3E80  }
0x7c: {  	s25 =	simm.s32 $0x100;
	s26 =	simm.s32 $0x800;
	[sflag:s13] =	ssyncset.done $0x0  }
.LBB2_4:
0x7d: {  	s28 =	sadd.s32 $0x80, s25  }
0x7e: {  	[sflag:s13] =	ssyncadd.s32 $0xFFFFC180;
	s29 =	smov.u32 s26;
	s30 =	sadd.s32 $0x400, s26  }
0x7f: {  	[tilespmem:s17], [sflag:$0x2] =	stream.indirect.gather [hbm4b:s1+s15], $0x80, s28, s15, $0xb8;
	[tilespmem:$0x1E080] =	vst v63  }
0x80: {  	p1 =	sne.s32 s26, $0x4800;
	_ =	swait.ge [sflag:s18], $0x3E80  }
0x81: {  	[sflag:s18] =	ssyncset.done $0x0  }
0x82: {  	s26 =	sadd.s32 $0x1400, s25;
	[sflag:s18] =	ssyncadd.s32 $0xFFFFC180  }
0x83: {  	[spmem:s2] =	stream.indirect.scatter.add.f32 [tilespmem:s16], [sflag:$0x3], $0x80, s26, s15, $0xb8;
	[tilespmem:$0x1E080] =	vst v63  }
0x84: {  	_ =	swait.ge [sflag:s13], $0x3E80  }
0x85: {  	[sflag:s13] =	ssyncset.done $0x0  }
0x86: {  	s26 =	sadd.s32 $0x100, s25;
	[sflag:s13] =	ssyncadd.s32 $0xFFFFC180  }
0x87: {  	[tilespmem:s16], [sflag:$0x1] =	stream.indirect.gather [hbm4b:s1+s15], $0x80, s26, s15, $0xb8;
	[tilespmem:$0x1E080] =	vst v63  }
0x88: {  	_ =	swait.ge [sflag:s19], $0x3E80  }
.Ltmp1:
0x89: {  	[sflag:s19] =	ssyncset.done $0x0;
	(pc) =	sbr.rel @p1 .LBB2_4-.Ltmp1, $4  }
0x8a: {  	s25 =	sadd.s32 $0x1480, s25;
	[sflag:s19] =	ssyncadd.s32 $0xFFFFC180  }
0x8b: {  	[spmem:s2] =	stream.indirect.scatter.add.f32 [tilespmem:s17], [sflag:$0x3], $0x80, s25, s15, $0xb8;
	[tilespmem:$0x1E080] =	vst v63  }
0x8c: {  	_ =	swait.ge [sflag:s13], $0x3E80  }
0x8d: {  	s26 =	smov.u32 s30;
	s25 =	sshra.s32 s29, $0x2;
	[sflag:s13] =	ssyncset.done $0x0  }
0x8e: {  	s26 =	sadd.s32 $0x80, s25;
	[sflag:s13] =	ssyncadd.s32 $0xFFFFC180  }
0x8f: {  	[tilespmem:s17], [sflag:$0x2] =	stream.indirect.gather [hbm4b:s1+s15], $0x80, s26, s15, $0xb8;
	[tilespmem:$0x1E080] =	vst v63  }
0x90: {  	_ =	swait.ge [sflag:s18], $0x3E80  }
0x91: {  	[sflag:s18] =	ssyncset.done $0x0  }
0x92: {  	s29 =	sadd.s32 $0x1400, s25;
	[sflag:s18] =	ssyncadd.s32 $0xFFFFC180  }
0x93: {  	[spmem:s2] =	stream.indirect.scatter.add.f32 [tilespmem:s16], [sflag:$0x3], $0x80, s29, s15, $0xb8;
	[tilespmem:$0x1E080] =	vst v63  }
0x94: {  	_ =	swait.ge [sflag:s13], $0x3E80  }
0x95: {  	[sflag:s13] =	ssyncset.done $0x0  }
0x96: {  	s30 =	sadd.s32 $0x100, s25;
	[sflag:s13] =	ssyncadd.s32 $0xFFFFC180  }
0x97: {  	[tilespmem:s16], [sflag:$0x1] =	stream.indirect.gather [hbm4b:s1+s15], $0x80, s30, s15, $0xb8;
	[tilespmem:$0x1E080] =	vst v63  }
0x98: {  	_ =	swait.ge [sflag:s19], $0x3E80  }
0x99: {  	[sflag:s19] =	ssyncset.done $0x0  }
0x9a: {  	s31 =	sadd.s32 $0x1480, s25;
	[sflag:s19] =	ssyncadd.s32 $0xFFFFC180  }
0x9b: {  	[spmem:s2] =	stream.indirect.scatter.add.f32 [tilespmem:s17], [sflag:$0x3], $0x80, s31, s15, $0xb8;
	[tilespmem:$0x1E080] =	vst v63  }
0x9c: {  	_ =	swait.ge [sflag:s13], $0x3E80  }
0x9d: {  	[sflag:s13] =	ssyncset.done $0x0  }
0x9e: {  	[sflag:s13] =	ssyncadd.s32 $0xFFFFC180  }
0x9f: {  	[tilespmem:s17], [sflag:$0x2] =	stream.indirect.gather [hbm4b:s1+s15], $0x80, s20, s15, $0xb8;
	[tilespmem:$0x1E080] =	vst v63  }
0xa0: {  	_ =	swait.ge [sflag:s18], $0x3E80  }
0xa1: {  	[sflag:s18] =	ssyncset.done $0x0  }
0xa2: {  	[sflag:s18] =	ssyncadd.s32 $0xFFFFC180  }
0xa3: {  	[spmem:s2] =	stream.indirect.scatter.add.f32 [tilespmem:s16], [sflag:$0x3], $0x80, s21, s15, $0xb8;
	[tilespmem:$0x1E080] =	vst v63  }
0xa4: {  	_ =	swait.ge [sflag:s13], $0x3E80  }
0xa5: {  	[sflag:s13] =	ssyncset.done $0x0  }
0xa6: {  	[sflag:s13] =	ssyncadd.s32 $0xFFFFC180  }
0xa7: {  	_ =	swait.ge [sflag:s19], $0x3E80  }
0xa8: {  	[sflag:s19] =	ssyncset.done $0x0  }
0xa9: {  	[sflag:s19] =	ssyncadd.s32 $0xFFFFC180  }
0xaa: {  	[spmem:s2] =	stream.indirect.scatter.add.f32 [tilespmem:s17], [sflag:$0x3], $0x80, s22, s15, $0xb8;
	[tilespmem:$0x1E080] =	vst v63  }
0xab: {  	_ =	swait.ge [sflag:s13], $0x3E80  }
0xac: {  	s24 =	sadd.s32 $0x1, s24;
	[sflag:s13] =	ssyncset.done $0x0  }
0xad: {  	p1 =	sne.s32 s24, s10;
	[sflag:s13] =	ssyncadd.s32 $0xFFFFC180  }
.Ltmp2:
0xae: {  	s25 =	simm.s32 @!p0 $0x3;
	[bflag:$0x0] =	sbarrier.arrive $0xFFFF;
	(pc) =	sbr.rel @p1 .LBB2_1-.Ltmp2, $4  }
0xaf: {  	[hbm:s23], [sflag:s11] =	dma.local @!p0 [spmem:s12], $0x3E80  }
0xb0: {  	_ =	swait.ge @!p0 [sflag:s25], $0x3E80  }
0xb1: {  	[sflag:s25] =	ssyncset.done @!p0 $0x0  }
0xb2: {  	[sflag:s25] =	ssyncadd.s32 @!p0 $0xFFFFC180  }
0xb3: {  	_ =	sfence.sel $0x180000  }
0xb4: {  	[bflag:$0x0] =	sbarrier.arrive $0xFFFF  }
0xb5: {  	p0 =	sne.s32 s3, $0x0;
	_ =	strace $0x9000004D  }
0xb6: {  	s0 =	sadd.s32 @!p0 $0x100000, s0;
	[bflag:$0x2] =	sbarrier.arrive $0xFFFF  }
0xb7: {  	[sflag:s0] =	ssyncadd.tile.s32 @!p0 $0x1;
	_ =	shalt  }
.Lfunc_end2:
_tile_overlayer_lowered:
.L_overlay_start_2:
0xb8: {  	(tag) =	ssettag $0x2  }
0xb9: {  	s0 =	rddreg [dreg:$0x0];
	s2 =	stileid.u32  }
0xba: {  	s1 =	rddreg [dreg:$0x1];
	p0 =	sne.s32 s2, $0x0  }
0xbb: {  	s3 =	rddreg [dreg:$0x2];
	[bflag:$0x3] =	sbarrier.arrive $0xFFFF;
	s2 =	simm.s32 @!p0 $0x1C03  }
0xbc: {  	[timem:s3], [sflag:s2] =	dma.local @!p0 [hbm:s0], s1  }
0xbd: {  	s0 =	simm.s32 @!p0 $0x3  }
0xbe: {  	_ =	swait.ge @!p0 [sflag:s0], s1  }
0xbf: {  	s1 =	ssub.s32 @!p0 $0x0, s1;
	[sflag:s0] =	ssyncset.done @!p0 $0x0  }
0xc0: {  	[sflag:s0] =	ssyncadd.s32 @!p0 s1  }
0xc1: {  	[bflag:$0x3] =	sbarrier.arrive $0xFFFF  }
0xc2: {  	_ =	shalt  }

// kernel: kernel.8.cloned.1.call-start
scs
__scs_entry_jumppad:
0x0: {  	(pc) =	sbr.rel $0x88, $3  }
0x1: {  	(tag) =	ssettag $0x0;
	lr =	simm.s32 $0x1  }
0x2: {  	[smem:$0x3F9B] =	sst lr;
	_ =	strace $0xD0000000  }
0x3: {  	_ = 	snop  }
0x4: {  	_ = 	snop  }
0x5: {  	_ = 	snop  }
0x6: {  	_ = 	snop  }
0x7: {  	_ = 	snop  }
__scs_overlays_trampoline_lowered:
0x8: {  	[smem:$0x3FAA] =	sst s0  }
0x9: {  	[smem:$0x3FAB] =	sst s1  }
0xa: {  	[smem:$0x3FAC] =	sst s2  }
0xb: {  	[smem:$0x3FAD] =	sst s3  }
0xc: {  	[smem:$0x3FAE] =	sst s4  }
0xd: {  	[smem:$0x3FAF] =	sst s5  }
0xe: {  	[smem:$0x3FB0] =	sst s6  }
0xf: {  	[smem:$0x3FB1] =	sst s7  }
0x10: {  	[smem:$0x3FB2] =	sst s8  }
0x11: {  	[smem:$0x3FB3] =	sst s9;
	s0 =	simm.s32 @!p0 $0x0  }
0x12: {  	s1 =	sld [smem:$0x3F99];
	s0 =	simm.s32 @p0 $0x1  }
0x13: {  	[smem:$0x3FB4] =	sst s0;
	s0 =	simm.s32 @!p1 $0x0  }
0x14: {  	s2 =	sld [smem:$0x3F98];
	s0 =	simm.s32 @p1 $0x1  }
0x15: {  	[smem:$0x3FB5] =	sst s0;
	s0 =	simm.s32 @!p2 $0x0  }
0x16: {  	s3 =	sld [smem:$0x3FDB];
	s0 =	simm.s32 @p2 $0x1  }
0x17: {  	s4 =	simm.s32 $0x1BF5;
	[smem:$0x3FB7] =	sst s0  }
0x18: {  	s0 =	sld [smem:$0x3F9A];
	_ =	swait.ge [sflag:s4], $0x0  }
0x19: {  	s7 =	sld [smem:$0x3F9B]  }
0x1a: {  	s8 =	sadd.s32 $0xFFFFE003, lr  }
0x1b: {  	s9 =	sadd.s32 $0xFFFFFEF7, lr;
	s5 =	simm.s32 $0xFFFFFFFF;
	p2 =	slt.u32 s8, $0xFFFFF086  }
0x1c: {  	p1 =	slt.u32 s9, $0xF7A;
	s5 =	simm.s32 @!p2 $0x0  }
0x1d: {  	s5 =	simm.s32 @p1 $0x1;
	p0 =	seq.s32 s7, s2  }
0x1e: {  	s7 =	smul.u32 @!p0 $0xF7A, s2;
	p2 =	seq.s32 @!p0 s5, $0x0  }
0x1f: {  	s9 =	smul.u32 $0xF7A, s1;
	s8 =	simm.s32 @!p0 $0x1BF5;
	p2 =	por !p2, p0  }
0x20: {  	[sflag:s8] =	ssyncset.s32 @!p0 $0xFFFFF086;
	s6 =	sadd.s32 @!p0 s3, s7;
	s7 =	simm.s32 @!p0 $0x108  }
0x21: {  	s3 =	sadd.s32 s3, s9;
	s6 =	sadd.s32 @!p0 $0x88, s6;
	s7 =	simm.s32 @p2 $0x1082  }
0x22: {  	[simem:s7], [sflag:s8] =	dma.local @!p0 [hbm:s6], $0xF7A  }
0x23: {  	s9 =	sor.u32 $0xD0000000, s2;
	s6 =	simm.s32 $0x108;
	_ =	swait.ge @!p0 [sflag:s8], $0x0  }
0x24: {  	s3 =	sadd.s32 $0x88, s3;
	s6 =	simm.s32 @!p1 $0x1082;
	[sflag:s4] =	ssyncset.s32 $0xFFFFF086  }
0x25: {  	[simem:s6], [sflag:s4] =	dma.local [hbm:s3], $0xF7A  }
0x26: {  	[smem:$0x3F9B] =	sst s1;
	(tag) =	ssettag s2;
	_ =	strace s9  }
0x27: {  	s1 =	sld [smem:$0x3FAB]  }
0x28: {  	s2 =	sld [smem:$0x3FAC]  }
0x29: {  	s4 =	sld [smem:$0x3FAE]  }
0x2a: {  	p0 =	seq.s32 s5, $0x0;
	s5 =	sld [smem:$0x3FAF]  }
0x2b: {  	s6 =	sld [smem:$0x3FB0]  }
0x2c: {  	s7 =	sld [smem:$0x3FB1]  }
0x2d: {  	s3 =	simm.s32 $0x108;
	s8 =	sld [smem:$0x3FB2]  }
0x2e: {  	s3 =	simm.s32 @!p0 $0x1082;
	s9 =	sld [smem:$0x3FB3]  }
0x2f: {  	lr =	sadd.s32 s0, s3;
	s0 =	sld [smem:$0x3FAA]  }
0x30: {  	s3 =	sld [smem:$0x3FAD]  }
0x31: {  	[smem:$0x3FB6] =	sst s10  }
0x32: {  	s10 =	sld [smem:$0x3FB4];
	_ =	sdelay $0x3  }
0x33: {  	p0 =	seq.s32 s10, $0x1;
	s10 =	sld [smem:$0x3FB6];
	_ =	sdelay $0x3  }
0x34: {  	[smem:$0x3FB6] =	sst s10  }
0x35: {  	s10 =	sld [smem:$0x3FB5];
	_ =	sdelay $0x3  }
0x36: {  	p1 =	seq.s32 s10, $0x1;
	s10 =	sld [smem:$0x3FB6];
	_ =	sdelay $0x3  }
0x37: {  	[smem:$0x3FB6] =	sst s10  }
0x38: {  	s10 =	sld [smem:$0x3FB7]  }
0x39: {  	_ = 	snop;
	(pc) =	sbr.ind lr, $3  }
0x3a: {  	_ = 	snop  }
0x3b: {  	_ = 	snop  }
0x3c: {  	p2 =	seq.s32 s10, $0x1;
	s10 =	sld [smem:$0x3FB6]  }
0x3d: {  	_ =	shalt  }
0x3e: {  	_ =	shalt  }
0x3f: {  	_ =	shalt  }
0x40: {  	_ =	shalt  }
0x41: {  	_ =	shalt  }
0x42: {  	_ =	shalt  }
0x43: {  	_ =	shalt  }
0x44: {  	_ =	shalt  }
0x45: {  	_ =	shalt  }
0x46: {  	_ =	shalt  }
0x47: {  	_ =	shalt  }
0x48: {  	_ =	shalt  }
0x49: {  	_ =	shalt  }
0x4a: {  	_ =	shalt  }
0x4b: {  	_ =	shalt  }
0x4c: {  	_ =	shalt  }
0x4d: {  	_ =	shalt  }
0x4e: {  	_ =	shalt  }
0x4f: {  	_ =	shalt  }
0x50: {  	_ =	shalt  }
0x51: {  	_ =	shalt  }
0x52: {  	_ =	shalt  }
0x53: {  	_ =	shalt  }
0x54: {  	_ =	shalt  }
0x55: {  	_ =	shalt  }
0x56: {  	_ =	shalt  }
0x57: {  	_ =	shalt  }
0x58: {  	_ =	shalt  }
0x59: {  	_ =	shalt  }
0x5a: {  	_ =	shalt  }
0x5b: {  	_ =	shalt  }
0x5c: {  	_ =	shalt  }
0x5d: {  	_ =	shalt  }
0x5e: {  	_ =	shalt  }
0x5f: {  	_ =	shalt  }
0x60: {  	_ =	shalt  }
0x61: {  	_ =	shalt  }
0x62: {  	_ =	shalt  }
0x63: {  	_ =	shalt  }
0x64: {  	_ =	shalt  }
0x65: {  	_ =	shalt  }
0x66: {  	_ =	shalt  }
0x67: {  	_ =	shalt  }
0x68: {  	_ =	shalt  }
0x69: {  	_ =	shalt  }
0x6a: {  	_ =	shalt  }
0x6b: {  	_ =	shalt  }
0x6c: {  	_ =	shalt  }
0x6d: {  	_ =	shalt  }
0x6e: {  	_ =	shalt  }
0x6f: {  	_ =	shalt  }
0x70: {  	_ =	shalt  }
0x71: {  	_ =	shalt  }
0x72: {  	_ =	shalt  }
0x73: {  	_ =	shalt  }
0x74: {  	_ =	shalt  }
0x75: {  	_ =	shalt  }
0x76: {  	_ =	shalt  }
0x77: {  	_ =	shalt  }
0x78: {  	_ =	shalt  }
0x79: {  	_ =	shalt  }
0x7a: {  	_ =	shalt  }
0x7b: {  	_ =	shalt  }
0x7c: {  	_ =	shalt  }
0x7d: {  	_ =	shalt  }
0x7e: {  	_ =	shalt  }
0x7f: {  	_ =	shalt  }
0x80: {  	_ =	shalt  }
0x81: {  	_ =	shalt  }
0x82: {  	_ =	shalt  }
0x83: {  	_ =	shalt  }
0x84: {  	_ =	shalt  }
0x85: {  	_ =	shalt  }
0x86: {  	_ =	shalt  }
0x87: {  	_ =	shalt  }
.Lfunc_end0:
.L_simem_size_0:
called_computation_lowered:
.L_overlay_start_0:
0x88: {  	s2 =	sld [smem:$0x3FD9]  }
0x89: {  	s3 =	sld [smem:$0x3FFE];
	_ =	sdelay $0x1  }
0x8a: {  	s1 =	srdreg.scid  }
0x8b: {  	s0 =	sand.u32 $0x1, s1  }
0x8c: {  	s16 =	sshll.u32 s0, $0xA;
	s2 =	sadd.s32 s3, s2  }
0x8d: {  	s2 =	sadd.s32 s2, s16  }
0x8e: {  	[smem:$0x3FC2] =	sst s2  }
0x8f: {  	_ = 	snop  }
0x90: {  	(tm) =	ssettm $0x1  }
0x91: {  	s17 =	sld [smem:$0x3FFB];
	_ =	sdelay $0x3  }
0x92: {  	_ =	strace s17  }
0x93: {  	s2 =	sld [smem:$0x3FFC];
	_ =	sdelay $0x3  }
0x94: {  	_ =	strace s2  }
0x95: {  	s2 =	sld [smem:$0x3FFD];
	_ =	sdelay $0x3  }
0x96: {  	_ =	strace s2  }
0x97: {  	_ =	strace $0x8FFFFFFF  }
0x98: {  	s18 =	sld [smem:$0x3FDB];
	_ =	sdelay $0x1  }
0x99: {  	s19 =	simm.s32 $_scs_section_size  }
0x9a: {  	s4 =	simm.s32 $_size__tile_overlayer_lowered;
	s5 =	simm.s32 $_tile_overlayer_lowered  }
0x9b: {  	s22 =	simm.s32 $0x1BFF;
	s21 =	sshll.u32 s5, $0x1;
	s2 =	sadd.s32 s19, s18  }
0x9c: {  	s6 =	simm.s32 $0x0;
	s20 =	sshll.u32 s4, $0x1;
	s4 =	sadd.s32 s21, s2  }
0x9d: {  	[timem:s6], [sflag:s22] =	dma.local [hbm:s4], s20  }
0x9e: {  	_ =	swait.ge [sflag:s22], s20  }
0x9f: {  	s3 =	ssub.s32 $0x0, s20;
	[sflag:s22] =	ssyncset.done $0x0  }
0xa0: {  	[sflag:s22] =	ssyncadd.s32 s3;
	_ =	sdelay $0x1  }
0xa1: {  	s23 =	simm.s32 $0x1B8B  }
0xa2: {  	_ =	swait.ge [sflag:s23], $0x1  }
0xa3: {  	[sflag:s23] =	ssyncset.done $0x0  }
0xa4: {  	s25 =	simm.s32 $0x1B8E;
	s24 =	sld [smem:$0x3FFE];
	[sflag:s23] =	ssyncadd.s32 $0xFFFFFFFF  }
0xa5: {  	s26 =	simm.s32 $execute0_lowered;
	[smem:$0x3FD2] =	sst s25  }
0xa6: {  	s4 =	sshll.u32 s26, $0x1;
	_ =	strace $0x80000046;
	[dreg:$0x1] =	wrdreg $0xFFFFFFFF  }
0xa7: {  	s28 =	simm.s32 $_size_execute0_lowered;
	s2 =	sadd.s32 s2, s4;
	[dreg:$0x0] =	wrdreg $0x0  }
0xa8: {  	s4 =	sshll.u32 s28, $0x1;
	[dreg:$0x2] =	wrdreg s2  }
0xa9: {  	[dreg:$0x3] =	wrdreg s4  }
0xaa: {  	[dreg:$0x4] =	wrdreg $0xC0  }
0xab: {  	_ =	task [dreg:s6], $0x5FFFF  }
0xac: {  	[dreg:$0x1] =	wrdreg $0xFFFFFFFF  }
0xad: {  	[dreg:$0x0] =	wrdreg $0x60  }
0xae: {  	[dreg:$0x2] =	wrdreg s24  }
0xaf: {  	[dreg:$0x3] =	wrdreg $0x9  }
0xb0: {  	_ =	task.clear_ibuf [dreg:s6], $0x4FFFF;
	_ =	strace $0x90000046  }
0xb1: {  	s29 =	simm.s32 $0x9;
	_ =	strace $0x80000048  }
0xb2: {  	_ =	swait.ge [sflag:s29], $0x1  }
0xb3: {  	[sflag:s29] =	ssyncadd.s32 $0xFFFFFFFF  }
0xb4: {  	_ =	strace $0x90000048  }
0xb5: {  	_ =	sfence  }
0xb6: {  	s30 =	sld [smem:$0x0];
	_ =	sdelay $0x2  }
0xb7: {  	s31 =	sshll.u32 s1, $0xD;
	s1 =	sshrl.u32 s1, $0x2  }
0xb8: {  	s3 =	sand.u32 $0x4000, s31;
	s1 =	sadd.s32 s1, s30  }
0xb9: {  	s0 =	sor.u32 s3, s0;
	s1 =	sshll.u32 s1, $0x11  }
0xba: {  	s0 =	sor.u32 s1, s0  }
0xbb: {  	s0 =	sadd.s32 $0x8F2B, s0  }
0xbc: {  	[sflag:s0] =	ssyncadd.remote.s32 $0x1  }
0xbd: {  	_ =	sfence.sel $0xFFFF  }
0xbe: {  	[dreg:$0x0] =	wrdreg $0xFFFFFFFF;
	(pc) =	sbr.abs _section_cstart, $3  }
0xbf: {  	[dreg:$0x1] =	wrdreg $0xFFFFFFFF  }
0xc0: {  	_ =	task.clear_ibuf [dreg:s6], $0x2FFFF;
	_ =	strace $0x9FFFFFFF  }
0xc1: {  	(tm) =	ssettm $0x7FFFFFFF  }
tec
execute0_lowered:
.L_overlay_start_1:
0x0: {  	(tag) =	ssettag $0x1  }
0x1: {  	s0 =	srdreg.scid  }
0x2: {  	s3 =	sand.u32 $0x1, s0  }
0x3: {  	s4 =	rddreg [dreg:$0x0];
	s0 =	stileid.u32;
	s1 =	sshll.u32 s3, $0x4  }
0x4: {  	s2 =	simm.s32 $0x0;
	s8 =	simm.s32 $0x0;
	s5 =	sor.u32 s0, s1  }
0x5: {  	[smem:$0x7FF] =	sst s2;
	s3 =	ssub.s32 $0x2, s3;
	s6 =	smul.u32 $0x2780, s5  }
0x6: {  	s1 =	rddreg [dreg:$0x1];
	s7 =	sshrl.u32 s3, $0x1;
	s5 =	smul.u32 $0x4F0, s5  }
0x7: {  	_ =	strace $0x80000047;
	s31 =	ssub.s32 s3, s7;
	s7 =	simm.s32 $0x13C00  }
0x8: {  	s6 =	sadd.s32 s6, s4;
	s4 =	sadd.s32 s5, s4;
	s5 =	smax.u32 s31, $0x1  }
0x9: {  	v0 =	vimm.f32 $0.0e+00;
	v1 =	vimm.f32 $1.000000000e+00;
	s3 =	sadd.s32 $0x2600, s6;
	s4 =	sadd.s32 $0x51600, s4;
	s6 =	simm.s32 $0x1  }
.LBB2_1:
0xa: {  	[tilespmem:s2], [sflag:$0x1] =	stream.linear.gather [hbm4b:s3+s2], $0x13880, $0x38;
	[tilespmem:$0x16380] =	vst v63  }
0xb: {  	_ =	swait.ge [sflag:s6], $0x13880  }
0xc: {  	[sflag:s6] =	ssyncset.done $0x0  }
0xd: {  	s9 =	simm.s32 $0x0;
	[sflag:s6] =	ssyncadd.s32 $0xFFFEC780  }
.LBB2_2:
0xe: {  	p0 =	sne.s32 s9, $0x9C00  }
.Ltmp0:
0xf: {  	_ = 	snop;
	(pc) =	sbr.rel @p0 .LBB2_2-.Ltmp0, $3  }
0x10: {  	_ =	sdelay $0x1  }
0x11: {  	s10 =	sshra.s32 s9, $0x2  }
0x12: {  	s9 =	sadd.s32 $0x40, s9;
	[tilespmem:s10+$0x13C00] =	vst v0  }
0x13: {  	s10 =	simm.s32 $0x0;
	s9 =	simm.s32 $0x200  }
.LBB2_4:
0x14: {  	p0 =	sne.s32 s9, $0x4E000;
	v2 =	vld [tilespmem:s10+$0x0];
	_ =	sdelay $0x3  }
.Ltmp1:
0x15: {  	(pc) =	sbr.rel @p0 .LBB2_4-.Ltmp1, $2  }
0x16: {  	_ =	sdelay $0x2  }
0x17: {  	s10 =	sshra.s32 s9, $0x2;
	s9 =	sadd.s32 $0x200, s9;
	[tilespmem:v2+s7+$0x0] =	vst.idx.add.f32.msk $0xffff, v1  }
0x18: {  	v2 =	vld [tilespmem:s10+$0x0];
	_ =	sdelay $0x5  }
0x19: {  	s8 =	sadd.s32 $0x1, s8  }
0x1a: {  	p0 =	sne.s32 s8, s5  }
.Ltmp2:
0x1b: {  	[tilespmem:v2+s7+$0x0] =	vst.idx.add.f32.msk $0xffff, v1;
	(pc) =	sbr.rel @p0 .LBB2_1-.Ltmp2, $4  }
0x1c: {  	[hbm4b:s4+s2] =	stream.linear.scatter [tilespmem:s7], [sflag:$0x1], $0x2780, $0x38;
	[tilespmem:$0x16380] =	vst v63  }
0x1d: {  	_ =	swait.ge [sflag:s6], $0x2780  }
0x1e: {  	[sflag:s6] =	ssyncset.done $0x0  }
0x1f: {  	[sflag:s6] =	ssyncadd.s32 $0xFFFFD880  }
0x20: {  	_ =	sfence.sel $0x180000  }
0x21: {  	[bflag:$0x0] =	sbarrier.arrive $0xFFFF  }
0x22: {  	p0 =	sne.s32 s0, $0x0;
	_ =	strace $0x90000047  }
0x23: {  	s0 =	sadd.s32 @!p0 $0x100000, s1;
	[bflag:$0x2] =	sbarrier.arrive $0xFFFF  }
0x24: {  	[sflag:s0] =	ssyncadd.tile.s32 @!p0 $0x1;
	_ =	shalt  }
.Lfunc_end2:
_tile_overlayer_lowered:
.L_overlay_start_2:
0x25: {  	(tag) =	ssettag $0x2  }
0x26: {  	s0 =	rddreg [dreg:$0x0];
	s2 =	stileid.u32  }
0x27: {  	s1 =	rddreg [dreg:$0x1];
	p0 =	sne.s32 s2, $0x0  }
0x28: {  	s3 =	rddreg [dreg:$0x2];
	[bflag:$0x3] =	sbarrier.arrive $0xFFFF;
	s2 =	simm.s32 @!p0 $0x1C01  }
0x29: {  	[timem:s3], [sflag:s2] =	dma.local @!p0 [hbm:s0], s1  }
0x2a: {  	s0 =	simm.s32 @!p0 $0x1  }
0x2b: {  	_ =	swait.ge @!p0 [sflag:s0], s1  }
0x2c: {  	s1 =	ssub.s32 @!p0 $0x0, s1;
	[sflag:s0] =	ssyncset.done @!p0 $0x0  }
0x2d: {  	[sflag:s0] =	ssyncadd.s32 @!p0 s1  }
0x2e: {  	[bflag:$0x3] =	sbarrier.arrive $0xFFFF  }
0x2f: {  	_ =	shalt  }

</sc_bundles>
